<compile_context>
chip_gen: v7x
topology: tpu7x:2x2x1
jax: 0.10.2.dev20260603
libtpu: 0.0.44.dev20260713+nightly
codegen_flags: <defaults>
</compile_context>

<pallas_src>
import functools

import jax
import jax.numpy as jnp
from jax import lax
from jax.experimental import pallas as pl
from jax.experimental.pallas import tpu as pltpu
from jax.experimental.pallas import tpu_sc as plsc

D = 64
B = 16384
NC, NS, L = 2, 16, 16
NW = NC * NS
TOT = 2 * B
PER_W = TOT // NW
CH = 128
NCH = PER_W // CH
NG = PER_W // L

_mesh = plsc.VectorSubcoreMesh(core_axis_name="c", subcore_axis_name="s")


@functools.partial(
    pl.kernel,
    mesh=_mesh,
    out_type=jax.ShapeDtypeStruct((NW, PER_W), jnp.float32),
    scratch_types=[
        pltpu.VMEM((NCH, CH), jnp.int32),
        pltpu.VMEM((PER_W, D), jnp.float32),
        pltpu.VMEM((PER_W,), jnp.float32),
        pltpu.VMEM((L * L,), jnp.float32),
        pltpu.SemaphoreType.DMA,
    ],
    compiler_params=pltpu.CompilerParams(
        needs_layout_passes=False, use_tc_tiling_on_sc=False),
)
def _row_sums_sc(idx_hbm, emb_hbm, out_hbm, idx_v, rows_v, sums_v, t_buf, sem):
    wid = lax.axis_index("s") * NC + lax.axis_index("c")
    pltpu.sync_copy(idx_hbm.at[wid], idx_v)

    copies = [
        pltpu.async_copy(emb_hbm.at[idx_v.at[j]],
                         rows_v.at[pl.ds(j * CH, CH)], sem)
        for j in range(NCH)
    ]
    for c in copies:
        c.wait()

    def body(g, carry):
        base = g * L
        for i in range(L):
            r = base + i
            v01 = rows_v[r, pl.ds(0, 16)] + rows_v[r, pl.ds(16, 16)]
            v23 = rows_v[r, pl.ds(32, 16)] + rows_v[r, pl.ds(48, 16)]
            t_buf[pl.ds(i * L, L)] = v01 + v23
        lanes = lax.iota(jnp.int32, L) * L
        acc = jnp.zeros((L,), jnp.float32)
        for dd in range(L):
            acc = acc + plsc.load_gather(t_buf, [lanes + dd])
        sums_v[pl.ds(base, L)] = acc
        return carry

    lax.fori_loop(0, NG, body, 0)
    pltpu.sync_copy(sums_v, out_hbm.at[wid])


def _loss_body(s_ref, o_ref):
    s = s_ref[...]
    sp = s[: B // 128, :]
    sn = s[B // 128:, :]
    pos_loss = jnp.log1p(jnp.exp(-sp))
    neg_loss = jnp.log1p(jnp.exp(sn))
    o_ref[...] = ((jnp.sum(pos_loss) + jnp.sum(neg_loss)) / B).reshape(1, 1)


_loss_tc = pl.pallas_call(
    _loss_body,
    out_shape=jax.ShapeDtypeStruct((1, 1), jnp.float32),
)


def kernel(pos_words, neg_words, embeddings):
    idx = jnp.concatenate([pos_words, neg_words]).astype(jnp.int32)
    idx = idx.reshape(NW, NCH, CH)
    sums = _row_sums_sc(idx, embeddings)
    loss = _loss_tc(sums.reshape(TOT // 128, 128))
    return loss[0, 0]

# --- scband reference (transcript-rebuilt; emitter-appended) ---
"""Pipeline reference for scband-word2-vec-model-3135326126568 (READ-ONLY COPY).

The authoritative reference and input builder live on the scoring server;
editing this copy changes nothing except your own understanding.
"""

import jax, jax.numpy as jnp
import numpy as np

VOCAB_SIZE = 1000000
EMBED_DIM = 64
BATCH = 16384


def setup_inputs(seed: int = 0) -> dict:
    key = jax.random.key(seed)
    k1, k2, k3 = jax.random.split(key, 3)
    pos_words = jax.random.randint(k1, (BATCH,), 0, VOCAB_SIZE, dtype=jnp.int64 if jax.config.jax_enable_x64 else jnp.int32)
    neg_words = jax.random.randint(k2, (BATCH,), 0, VOCAB_SIZE, dtype=jnp.int64 if jax.config.jax_enable_x64 else jnp.int32)
    embeddings = jax.random.normal(k3, (VOCAB_SIZE, EMBED_DIM), dtype=jnp.float32)
    return {"pos_words": pos_words, "neg_words": neg_words, "embeddings": embeddings}


def reference(pos_words, neg_words, embeddings):
    # nn.Embedding lookup -> gather rows
    pos_embedding = jnp.take(embeddings, pos_words, axis=0)  # [B, D]
    neg_embedding = jnp.take(embeddings, neg_words, axis=0)  # [B, D]
    pos_loss = -jnp.log(jax.nn.sigmoid(jnp.sum(pos_embedding, axis=1)))
    neg_loss = -jnp.log(jax.nn.sigmoid(-jnp.sum(neg_embedding, axis=1)))
    loss = jnp.mean(pos_loss + neg_loss)
    return loss

if __name__ == "__main__":
    import jax
    _d = setup_inputs()
    print(jax.jit(kernel)(*tuple(_d.values())))

</pallas_src>

<mosaic_0001>
#map = affine_map<(d0, d1) -> (0, 0, 0)>
#map1 = affine_map<(d0, d1) -> (0, 0)>
module attributes {stable_mosaic.version = 14 : i64} {
  func.func @_row_sums_sc(%arg0: i32, %arg1: i32, %arg2: memref<32x8x128xi32, #tpu.memory_space<hbm>>, %arg3: memref<1000000x64xf32, #tpu.memory_space<hbm>>, %arg4: memref<32x1024xf32, #tpu.memory_space<hbm>>, %arg5: memref<8x128xi32, #tpu.memory_space<vmem>>, %arg6: memref<1024x64xf32, #tpu.memory_space<vmem>>, %arg7: memref<1024xf32, #tpu.memory_space<vmem>>, %arg8: memref<256xf32, #tpu.memory_space<vmem>>, %arg9: memref<!tpu.dma_semaphore, #tpu.memory_space<semaphore_mem>>) attributes {dimension_semantics = [#tpu.dimension_semantics<core_parallel>, #tpu.dimension_semantics<subcore_parallel>], iteration_bounds = array<i64: 2, 16>, scalar_prefetch = 0 : i64, scratch_operands = 5 : i64, tpu.core_type = #tpu.core_type<sc_vector_subcore>, window_params = [{transform_indices = #map}, {transform_indices = #map1}, {transform_indices = #map1}]} {
    %mul3A = arith.constant 2 : i32
    %mul3A_0 = arith.muli %arg1, %mul3A : i32
    %add3A = arith.addi %mul3A_0, %arg0 : i32
    "tpu.region"() ({
      %run_scoped3A = tpu.sem_alloc : memref<!tpu.dma_semaphore, #tpu.memory_space<semaphore_mem>>
      %dma_start3A_164 = arith.constant 0 : i32
      %dma_start3A_165 = arith.constant 0 : i32
      %dma_start3A_166 = tpu.memref_slice %arg2[%add3A, %dma_start3A_164, %dma_start3A_165] : memref<32x8x128xi32, #tpu.memory_space<hbm>> -> memref<1x8x128xi32, #tpu.memory_space<hbm>>
      %dma_start3A_167 = tpu.memref_squeeze %dma_start3A_166 : memref<1x8x128xi32, #tpu.memory_space<hbm>> -> memref<8x128xi32, #tpu.memory_space<hbm>>
      %dma_start3A_168 = arith.constant 0 : i32
      %dma_start3A_169 = arith.constant 0 : i32
      %dma_start3A_170 = tpu.memref_slice %arg2[%add3A, %dma_start3A_168, %dma_start3A_169] : memref<32x8x128xi32, #tpu.memory_space<hbm>> -> memref<1x8x128xi32, #tpu.memory_space<hbm>>
      %dma_start3A_171 = tpu.memref_squeeze %dma_start3A_170 : memref<1x8x128xi32, #tpu.memory_space<hbm>> -> memref<8x128xi32, #tpu.memory_space<hbm>>
      tpu.enqueue_dma source(%dma_start3A_171 : memref<8x128xi32, #tpu.memory_space<hbm>>) target(%arg5 : memref<8x128xi32, #tpu.memory_space<vmem>>) target_semaphore(%run_scoped3A : memref<!tpu.dma_semaphore, #tpu.memory_space<semaphore_mem>>)
      %dma_wait3A_172 = arith.constant 0 : i32
      %dma_wait3A_173 = arith.constant 0 : i32
      %dma_wait3A_174 = tpu.memref_slice %arg2[%add3A, %dma_wait3A_172, %dma_wait3A_173] : memref<32x8x128xi32, #tpu.memory_space<hbm>> -> memref<1x8x128xi32, #tpu.memory_space<hbm>>
      %dma_wait3A_175 = tpu.memref_squeeze %dma_wait3A_174 : memref<1x8x128xi32, #tpu.memory_space<hbm>> -> memref<8x128xi32, #tpu.memory_space<hbm>>
      %dma_wait3A_176 = arith.constant 0 : i32
      %dma_wait3A_177 = arith.constant 0 : i32
      %dma_wait3A_178 = tpu.memref_slice %arg2[%add3A, %dma_wait3A_176, %dma_wait3A_177] : memref<32x8x128xi32, #tpu.memory_space<hbm>> -> memref<1x8x128xi32, #tpu.memory_space<hbm>>
      %dma_wait3A_179 = tpu.memref_squeeze %dma_wait3A_178 : memref<1x8x128xi32, #tpu.memory_space<hbm>> -> memref<8x128xi32, #tpu.memory_space<hbm>>
      tpu.wait_dma2 semaphore(%run_scoped3A : memref<!tpu.dma_semaphore, #tpu.memory_space<semaphore_mem>>) src(%dma_wait3A_179 : memref<8x128xi32, #tpu.memory_space<hbm>>) dst(%arg5 : memref<8x128xi32, #tpu.memory_space<vmem>>)
      tpu.yield
    }) : () -> ()
    %dma_start3A = arith.constant 0 : i32
    %dma_start3A_1 = arith.constant 0 : i32
    %dma_start3A_2 = arith.constant 0 : i32
    %dma_start3A_3 = tpu.memref_slice %arg6[%dma_start3A_1, %dma_start3A_2] : memref<1024x64xf32, #tpu.memory_space<vmem>> -> memref<128x64xf32, #tpu.memory_space<vmem>>
    %dma_start3A_4 = arith.constant 0 : i32
    %dma_start3A_5 = tpu.memref_slice %arg5[%dma_start3A, %dma_start3A_4] : memref<8x128xi32, #tpu.memory_space<vmem>> -> memref<1x128xi32, #tpu.memory_space<vmem>>
    %dma_start3A_6 = tpu.memref_squeeze %dma_start3A_5 : memref<1x128xi32, #tpu.memory_space<vmem>> -> memref<128xi32, #tpu.memory_space<vmem>>
    %dma_start3A_7 = arith.constant 0 : i32
    %dma_start3A_8 = arith.constant 0 : i32
    %dma_start3A_9 = tpu.memref_slice %arg3[%dma_start3A_7, %dma_start3A_8] : memref<1000000x64xf32, #tpu.memory_space<hbm>> -> memref<1000000x64xf32, #tpu.memory_space<hbm>>
    tpu.enqueue_indirect_dma source(%dma_start3A_9 : memref<1000000x64xf32, #tpu.memory_space<hbm>>) target(%dma_start3A_3 : memref<128x64xf32, #tpu.memory_space<vmem>>) offsets(%dma_start3A_6 : memref<128xi32, #tpu.memory_space<vmem>>) semaphore(%arg9 : memref<!tpu.dma_semaphore, #tpu.memory_space<semaphore_mem>>)
    %dma_start3A_10 = arith.constant 1 : i32
    %dma_start3A_11 = arith.constant 128 : i32
    %dma_start3A_12 = arith.constant 0 : i32
    %dma_start3A_13 = tpu.memref_slice %arg6[%dma_start3A_11, %dma_start3A_12] : memref<1024x64xf32, #tpu.memory_space<vmem>> -> memref<128x64xf32, #tpu.memory_space<vmem>>
    %dma_start3A_14 = arith.constant 0 : i32
    %dma_start3A_15 = tpu.memref_slice %arg5[%dma_start3A_10, %dma_start3A_14] : memref<8x128xi32, #tpu.memory_space<vmem>> -> memref<1x128xi32, #tpu.memory_space<vmem>>
    %dma_start3A_16 = tpu.memref_squeeze %dma_start3A_15 : memref<1x128xi32, #tpu.memory_space<vmem>> -> memref<128xi32, #tpu.memory_space<vmem>>
    %dma_start3A_17 = arith.constant 0 : i32
    %dma_start3A_18 = arith.constant 0 : i32
    %dma_start3A_19 = tpu.memref_slice %arg3[%dma_start3A_17, %dma_start3A_18] : memref<1000000x64xf32, #tpu.memory_space<hbm>> -> memref<1000000x64xf32, #tpu.memory_space<hbm>>
    tpu.enqueue_indirect_dma source(%dma_start3A_19 : memref<1000000x64xf32, #tpu.memory_space<hbm>>) target(%dma_start3A_13 : memref<128x64xf32, #tpu.memory_space<vmem>>) offsets(%dma_start3A_16 : memref<128xi32, #tpu.memory_space<vmem>>) semaphore(%arg9 : memref<!tpu.dma_semaphore, #tpu.memory_space<semaphore_mem>>)
    %dma_start3A_20 = arith.constant 2 : i32
    %dma_start3A_21 = arith.constant 256 : i32
    %dma_start3A_22 = arith.constant 0 : i32
    %dma_start3A_23 = tpu.memref_slice %arg6[%dma_start3A_21, %dma_start3A_22] : memref<1024x64xf32, #tpu.memory_space<vmem>> -> memref<128x64xf32, #tpu.memory_space<vmem>>
    %dma_start3A_24 = arith.constant 0 : i32
    %dma_start3A_25 = tpu.memref_slice %arg5[%dma_start3A_20, %dma_start3A_24] : memref<8x128xi32, #tpu.memory_space<vmem>> -> memref<1x128xi32, #tpu.memory_space<vmem>>
    %dma_start3A_26 = tpu.memref_squeeze %dma_start3A_25 : memref<1x128xi32, #tpu.memory_space<vmem>> -> memref<128xi32, #tpu.memory_space<vmem>>
    %dma_start3A_27 = arith.constant 0 : i32
    %dma_start3A_28 = arith.constant 0 : i32
    %dma_start3A_29 = tpu.memref_slice %arg3[%dma_start3A_27, %dma_start3A_28] : memref<1000000x64xf32, #tpu.memory_space<hbm>> -> memref<1000000x64xf32, #tpu.memory_space<hbm>>
    tpu.enqueue_indirect_dma source(%dma_start3A_29 : memref<1000000x64xf32, #tpu.memory_space<hbm>>) target(%dma_start3A_23 : memref<128x64xf32, #tpu.memory_space<vmem>>) offsets(%dma_start3A_26 : memref<128xi32, #tpu.memory_space<vmem>>) semaphore(%arg9 : memref<!tpu.dma_semaphore, #tpu.memory_space<semaphore_mem>>)
    %dma_start3A_30 = arith.constant 3 : i32
    %dma_start3A_31 = arith.constant 384 : i32
    %dma_start3A_32 = arith.constant 0 : i32
    %dma_start3A_33 = tpu.memref_slice %arg6[%dma_start3A_31, %dma_start3A_32] : memref<1024x64xf32, #tpu.memory_space<vmem>> -> memref<128x64xf32, #tpu.memory_space<vmem>>
    %dma_start3A_34 = arith.constant 0 : i32
    %dma_start3A_35 = tpu.memref_slice %arg5[%dma_start3A_30, %dma_start3A_34] : memref<8x128xi32, #tpu.memory_space<vmem>> -> memref<1x128xi32, #tpu.memory_space<vmem>>
    %dma_start3A_36 = tpu.memref_squeeze %dma_start3A_35 : memref<1x128xi32, #tpu.memory_space<vmem>> -> memref<128xi32, #tpu.memory_space<vmem>>
    %dma_start3A_37 = arith.constant 0 : i32
    %dma_start3A_38 = arith.constant 0 : i32
    %dma_start3A_39 = tpu.memref_slice %arg3[%dma_start3A_37, %dma_start3A_38] : memref<1000000x64xf32, #tpu.memory_space<hbm>> -> memref<1000000x64xf32, #tpu.memory_space<hbm>>
    tpu.enqueue_indirect_dma source(%dma_start3A_39 : memref<1000000x64xf32, #tpu.memory_space<hbm>>) target(%dma_start3A_33 : memref<128x64xf32, #tpu.memory_space<vmem>>) offsets(%dma_start3A_36 : memref<128xi32, #tpu.memory_space<vmem>>) semaphore(%arg9 : memref<!tpu.dma_semaphore, #tpu.memory_space<semaphore_mem>>)
    %dma_start3A_40 = arith.constant 4 : i32
    %dma_start3A_41 = arith.constant 512 : i32
    %dma_start3A_42 = arith.constant 0 : i32
    %dma_start3A_43 = tpu.memref_slice %arg6[%dma_start3A_41, %dma_start3A_42] : memref<1024x64xf32, #tpu.memory_space<vmem>> -> memref<128x64xf32, #tpu.memory_space<vmem>>
    %dma_start3A_44 = arith.constant 0 : i32
    %dma_start3A_45 = tpu.memref_slice %arg5[%dma_start3A_40, %dma_start3A_44] : memref<8x128xi32, #tpu.memory_space<vmem>> -> memref<1x128xi32, #tpu.memory_space<vmem>>
    %dma_start3A_46 = tpu.memref_squeeze %dma_start3A_45 : memref<1x128xi32, #tpu.memory_space<vmem>> -> memref<128xi32, #tpu.memory_space<vmem>>
    %dma_start3A_47 = arith.constant 0 : i32
    %dma_start3A_48 = arith.constant 0 : i32
    %dma_start3A_49 = tpu.memref_slice %arg3[%dma_start3A_47, %dma_start3A_48] : memref<1000000x64xf32, #tpu.memory_space<hbm>> -> memref<1000000x64xf32, #tpu.memory_space<hbm>>
    tpu.enqueue_indirect_dma source(%dma_start3A_49 : memref<1000000x64xf32, #tpu.memory_space<hbm>>) target(%dma_start3A_43 : memref<128x64xf32, #tpu.memory_space<vmem>>) offsets(%dma_start3A_46 : memref<128xi32, #tpu.memory_space<vmem>>) semaphore(%arg9 : memref<!tpu.dma_semaphore, #tpu.memory_space<semaphore_mem>>)
    %dma_start3A_50 = arith.constant 5 : i32
    %dma_start3A_51 = arith.constant 640 : i32
    %dma_start3A_52 = arith.constant 0 : i32
    %dma_start3A_53 = tpu.memref_slice %arg6[%dma_start3A_51, %dma_start3A_52] : memref<1024x64xf32, #tpu.memory_space<vmem>> -> memref<128x64xf32, #tpu.memory_space<vmem>>
    %dma_start3A_54 = arith.constant 0 : i32
    %dma_start3A_55 = tpu.memref_slice %arg5[%dma_start3A_50, %dma_start3A_54] : memref<8x128xi32, #tpu.memory_space<vmem>> -> memref<1x128xi32, #tpu.memory_space<vmem>>
    %dma_start3A_56 = tpu.memref_squeeze %dma_start3A_55 : memref<1x128xi32, #tpu.memory_space<vmem>> -> memref<128xi32, #tpu.memory_space<vmem>>
    %dma_start3A_57 = arith.constant 0 : i32
    %dma_start3A_58 = arith.constant 0 : i32
    %dma_start3A_59 = tpu.memref_slice %arg3[%dma_start3A_57, %dma_start3A_58] : memref<1000000x64xf32, #tpu.memory_space<hbm>> -> memref<1000000x64xf32, #tpu.memory_space<hbm>>
    tpu.enqueue_indirect_dma source(%dma_start3A_59 : memref<1000000x64xf32, #tpu.memory_space<hbm>>) target(%dma_start3A_53 : memref<128x64xf32, #tpu.memory_space<vmem>>) offsets(%dma_start3A_56 : memref<128xi32, #tpu.memory_space<vmem>>) semaphore(%arg9 : memref<!tpu.dma_semaphore, #tpu.memory_space<semaphore_mem>>)
    %dma_start3A_60 = arith.constant 6 : i32
    %dma_start3A_61 = arith.constant 768 : i32
    %dma_start3A_62 = arith.constant 0 : i32
    %dma_start3A_63 = tpu.memref_slice %arg6[%dma_start3A_61, %dma_start3A_62] : memref<1024x64xf32, #tpu.memory_space<vmem>> -> memref<128x64xf32, #tpu.memory_space<vmem>>
    %dma_start3A_64 = arith.constant 0 : i32
    %dma_start3A_65 = tpu.memref_slice %arg5[%dma_start3A_60, %dma_start3A_64] : memref<8x128xi32, #tpu.memory_space<vmem>> -> memref<1x128xi32, #tpu.memory_space<vmem>>
    %dma_start3A_66 = tpu.memref_squeeze %dma_start3A_65 : memref<1x128xi32, #tpu.memory_space<vmem>> -> memref<128xi32, #tpu.memory_space<vmem>>
    %dma_start3A_67 = arith.constant 0 : i32
    %dma_start3A_68 = arith.constant 0 : i32
    %dma_start3A_69 = tpu.memref_slice %arg3[%dma_start3A_67, %dma_start3A_68] : memref<1000000x64xf32, #tpu.memory_space<hbm>> -> memref<1000000x64xf32, #tpu.memory_space<hbm>>
    tpu.enqueue_indirect_dma source(%dma_start3A_69 : memref<1000000x64xf32, #tpu.memory_space<hbm>>) target(%dma_start3A_63 : memref<128x64xf32, #tpu.memory_space<vmem>>) offsets(%dma_start3A_66 : memref<128xi32, #tpu.memory_space<vmem>>) semaphore(%arg9 : memref<!tpu.dma_semaphore, #tpu.memory_space<semaphore_mem>>)
    %dma_start3A_70 = arith.constant 7 : i32
    %dma_start3A_71 = arith.constant 896 : i32
    %dma_start3A_72 = arith.constant 0 : i32
    %dma_start3A_73 = tpu.memref_slice %arg6[%dma_start3A_71, %dma_start3A_72] : memref<1024x64xf32, #tpu.memory_space<vmem>> -> memref<128x64xf32, #tpu.memory_space<vmem>>
    %dma_start3A_74 = arith.constant 0 : i32
    %dma_start3A_75 = tpu.memref_slice %arg5[%dma_start3A_70, %dma_start3A_74] : memref<8x128xi32, #tpu.memory_space<vmem>> -> memref<1x128xi32, #tpu.memory_space<vmem>>
    %dma_start3A_76 = tpu.memref_squeeze %dma_start3A_75 : memref<1x128xi32, #tpu.memory_space<vmem>> -> memref<128xi32, #tpu.memory_space<vmem>>
    %dma_start3A_77 = arith.constant 0 : i32
    %dma_start3A_78 = arith.constant 0 : i32
    %dma_start3A_79 = tpu.memref_slice %arg3[%dma_start3A_77, %dma_start3A_78] : memref<1000000x64xf32, #tpu.memory_space<hbm>> -> memref<1000000x64xf32, #tpu.memory_space<hbm>>
    tpu.enqueue_indirect_dma source(%dma_start3A_79 : memref<1000000x64xf32, #tpu.memory_space<hbm>>) target(%dma_start3A_73 : memref<128x64xf32, #tpu.memory_space<vmem>>) offsets(%dma_start3A_76 : memref<128xi32, #tpu.memory_space<vmem>>) semaphore(%arg9 : memref<!tpu.dma_semaphore, #tpu.memory_space<semaphore_mem>>)
    %dma_wait3A = arith.constant 0 : i32
    %dma_wait3A_80 = arith.constant 0 : i32
    %dma_wait3A_81 = arith.constant 0 : i32
    %dma_wait3A_82 = tpu.memref_slice %arg6[%dma_wait3A_80, %dma_wait3A_81] : memref<1024x64xf32, #tpu.memory_space<vmem>> -> memref<128x64xf32, #tpu.memory_space<vmem>>
    %dma_wait3A_83 = arith.constant 0 : i32
    %dma_wait3A_84 = tpu.memref_slice %arg5[%dma_wait3A, %dma_wait3A_83] : memref<8x128xi32, #tpu.memory_space<vmem>> -> memref<1x128xi32, #tpu.memory_space<vmem>>
    %dma_wait3A_85 = tpu.memref_squeeze %dma_wait3A_84 : memref<1x128xi32, #tpu.memory_space<vmem>> -> memref<128xi32, #tpu.memory_space<vmem>>
    %dma_wait3A_86 = arith.constant 0 : i32
    %dma_wait3A_87 = arith.constant 0 : i32
    %dma_wait3A_88 = tpu.memref_slice %arg3[%dma_wait3A_86, %dma_wait3A_87] : memref<1000000x64xf32, #tpu.memory_space<hbm>> -> memref<1000000x64xf32, #tpu.memory_space<hbm>>
    tpu.wait_indirect_dma semaphore(%arg9 : memref<!tpu.dma_semaphore, #tpu.memory_space<semaphore_mem>>) src(%dma_wait3A_88 : memref<1000000x64xf32, #tpu.memory_space<hbm>>) dst(%dma_wait3A_82 : memref<128x64xf32, #tpu.memory_space<vmem>>)
    %dma_wait3A_89 = arith.constant 1 : i32
    %dma_wait3A_90 = arith.constant 128 : i32
    %dma_wait3A_91 = arith.constant 0 : i32
    %dma_wait3A_92 = tpu.memref_slice %arg6[%dma_wait3A_90, %dma_wait3A_91] : memref<1024x64xf32, #tpu.memory_space<vmem>> -> memref<128x64xf32, #tpu.memory_space<vmem>>
    %dma_wait3A_93 = arith.constant 0 : i32
    %dma_wait3A_94 = tpu.memref_slice %arg5[%dma_wait3A_89, %dma_wait3A_93] : memref<8x128xi32, #tpu.memory_space<vmem>> -> memref<1x128xi32, #tpu.memory_space<vmem>>
    %dma_wait3A_95 = tpu.memref_squeeze %dma_wait3A_94 : memref<1x128xi32, #tpu.memory_space<vmem>> -> memref<128xi32, #tpu.memory_space<vmem>>
    %dma_wait3A_96 = arith.constant 0 : i32
    %dma_wait3A_97 = arith.constant 0 : i32
    %dma_wait3A_98 = tpu.memref_slice %arg3[%dma_wait3A_96, %dma_wait3A_97] : memref<1000000x64xf32, #tpu.memory_space<hbm>> -> memref<1000000x64xf32, #tpu.memory_space<hbm>>
    tpu.wait_indirect_dma semaphore(%arg9 : memref<!tpu.dma_semaphore, #tpu.memory_space<semaphore_mem>>) src(%dma_wait3A_98 : memref<1000000x64xf32, #tpu.memory_space<hbm>>) dst(%dma_wait3A_92 : memref<128x64xf32, #tpu.memory_space<vmem>>)
    %dma_wait3A_99 = arith.constant 2 : i32
    %dma_wait3A_100 = arith.constant 256 : i32
    %dma_wait3A_101 = arith.constant 0 : i32
    %dma_wait3A_102 = tpu.memref_slice %arg6[%dma_wait3A_100, %dma_wait3A_101] : memref<1024x64xf32, #tpu.memory_space<vmem>> -> memref<128x64xf32, #tpu.memory_space<vmem>>
    %dma_wait3A_103 = arith.constant 0 : i32
    %dma_wait3A_104 = tpu.memref_slice %arg5[%dma_wait3A_99, %dma_wait3A_103] : memref<8x128xi32, #tpu.memory_space<vmem>> -> memref<1x128xi32, #tpu.memory_space<vmem>>
    %dma_wait3A_105 = tpu.memref_squeeze %dma_wait3A_104 : memref<1x128xi32, #tpu.memory_space<vmem>> -> memref<128xi32, #tpu.memory_space<vmem>>
    %dma_wait3A_106 = arith.constant 0 : i32
    %dma_wait3A_107 = arith.constant 0 : i32
    %dma_wait3A_108 = tpu.memref_slice %arg3[%dma_wait3A_106, %dma_wait3A_107] : memref<1000000x64xf32, #tpu.memory_space<hbm>> -> memref<1000000x64xf32, #tpu.memory_space<hbm>>
    tpu.wait_indirect_dma semaphore(%arg9 : memref<!tpu.dma_semaphore, #tpu.memory_space<semaphore_mem>>) src(%dma_wait3A_108 : memref<1000000x64xf32, #tpu.memory_space<hbm>>) dst(%dma_wait3A_102 : memref<128x64xf32, #tpu.memory_space<vmem>>)
    %dma_wait3A_109 = arith.constant 3 : i32
    %dma_wait3A_110 = arith.constant 384 : i32
    %dma_wait3A_111 = arith.constant 0 : i32
    %dma_wait3A_112 = tpu.memref_slice %arg6[%dma_wait3A_110, %dma_wait3A_111] : memref<1024x64xf32, #tpu.memory_space<vmem>> -> memref<128x64xf32, #tpu.memory_space<vmem>>
    %dma_wait3A_113 = arith.constant 0 : i32
    %dma_wait3A_114 = tpu.memref_slice %arg5[%dma_wait3A_109, %dma_wait3A_113] : memref<8x128xi32, #tpu.memory_space<vmem>> -> memref<1x128xi32, #tpu.memory_space<vmem>>
    %dma_wait3A_115 = tpu.memref_squeeze %dma_wait3A_114 : memref<1x128xi32, #tpu.memory_space<vmem>> -> memref<128xi32, #tpu.memory_space<vmem>>
    %dma_wait3A_116 = arith.constant 0 : i32
    %dma_wait3A_117 = arith.constant 0 : i32
    %dma_wait3A_118 = tpu.memref_slice %arg3[%dma_wait3A_116, %dma_wait3A_117] : memref<1000000x64xf32, #tpu.memory_space<hbm>> -> memref<1000000x64xf32, #tpu.memory_space<hbm>>
    tpu.wait_indirect_dma semaphore(%arg9 : memref<!tpu.dma_semaphore, #tpu.memory_space<semaphore_mem>>) src(%dma_wait3A_118 : memref<1000000x64xf32, #tpu.memory_space<hbm>>) dst(%dma_wait3A_112 : memref<128x64xf32, #tpu.memory_space<vmem>>)
    %dma_wait3A_119 = arith.constant 4 : i32
    %dma_wait3A_120 = arith.constant 512 : i32
    %dma_wait3A_121 = arith.constant 0 : i32
    %dma_wait3A_122 = tpu.memref_slice %arg6[%dma_wait3A_120, %dma_wait3A_121] : memref<1024x64xf32, #tpu.memory_space<vmem>> -> memref<128x64xf32, #tpu.memory_space<vmem>>
    %dma_wait3A_123 = arith.constant 0 : i32
    %dma_wait3A_124 = tpu.memref_slice %arg5[%dma_wait3A_119, %dma_wait3A_123] : memref<8x128xi32, #tpu.memory_space<vmem>> -> memref<1x128xi32, #tpu.memory_space<vmem>>
    %dma_wait3A_125 = tpu.memref_squeeze %dma_wait3A_124 : memref<1x128xi32, #tpu.memory_space<vmem>> -> memref<128xi32, #tpu.memory_space<vmem>>
    %dma_wait3A_126 = arith.constant 0 : i32
    %dma_wait3A_127 = arith.constant 0 : i32
    %dma_wait3A_128 = tpu.memref_slice %arg3[%dma_wait3A_126, %dma_wait3A_127] : memref<1000000x64xf32, #tpu.memory_space<hbm>> -> memref<1000000x64xf32, #tpu.memory_space<hbm>>
    tpu.wait_indirect_dma semaphore(%arg9 : memref<!tpu.dma_semaphore, #tpu.memory_space<semaphore_mem>>) src(%dma_wait3A_128 : memref<1000000x64xf32, #tpu.memory_space<hbm>>) dst(%dma_wait3A_122 : memref<128x64xf32, #tpu.memory_space<vmem>>)
    %dma_wait3A_129 = arith.constant 5 : i32
    %dma_wait3A_130 = arith.constant 640 : i32
    %dma_wait3A_131 = arith.constant 0 : i32
    %dma_wait3A_132 = tpu.memref_slice %arg6[%dma_wait3A_130, %dma_wait3A_131] : memref<1024x64xf32, #tpu.memory_space<vmem>> -> memref<128x64xf32, #tpu.memory_space<vmem>>
    %dma_wait3A_133 = arith.constant 0 : i32
    %dma_wait3A_134 = tpu.memref_slice %arg5[%dma_wait3A_129, %dma_wait3A_133] : memref<8x128xi32, #tpu.memory_space<vmem>> -> memref<1x128xi32, #tpu.memory_space<vmem>>
    %dma_wait3A_135 = tpu.memref_squeeze %dma_wait3A_134 : memref<1x128xi32, #tpu.memory_space<vmem>> -> memref<128xi32, #tpu.memory_space<vmem>>
    %dma_wait3A_136 = arith.constant 0 : i32
    %dma_wait3A_137 = arith.constant 0 : i32
    %dma_wait3A_138 = tpu.memref_slice %arg3[%dma_wait3A_136, %dma_wait3A_137] : memref<1000000x64xf32, #tpu.memory_space<hbm>> -> memref<1000000x64xf32, #tpu.memory_space<hbm>>
    tpu.wait_indirect_dma semaphore(%arg9 : memref<!tpu.dma_semaphore, #tpu.memory_space<semaphore_mem>>) src(%dma_wait3A_138 : memref<1000000x64xf32, #tpu.memory_space<hbm>>) dst(%dma_wait3A_132 : memref<128x64xf32, #tpu.memory_space<vmem>>)
    %dma_wait3A_139 = arith.constant 6 : i32
    %dma_wait3A_140 = arith.constant 768 : i32
    %dma_wait3A_141 = arith.constant 0 : i32
    %dma_wait3A_142 = tpu.memref_slice %arg6[%dma_wait3A_140, %dma_wait3A_141] : memref<1024x64xf32, #tpu.memory_space<vmem>> -> memref<128x64xf32, #tpu.memory_space<vmem>>
    %dma_wait3A_143 = arith.constant 0 : i32
    %dma_wait3A_144 = tpu.memref_slice %arg5[%dma_wait3A_139, %dma_wait3A_143] : memref<8x128xi32, #tpu.memory_space<vmem>> -> memref<1x128xi32, #tpu.memory_space<vmem>>
    %dma_wait3A_145 = tpu.memref_squeeze %dma_wait3A_144 : memref<1x128xi32, #tpu.memory_space<vmem>> -> memref<128xi32, #tpu.memory_space<vmem>>
    %dma_wait3A_146 = arith.constant 0 : i32
    %dma_wait3A_147 = arith.constant 0 : i32
    %dma_wait3A_148 = tpu.memref_slice %arg3[%dma_wait3A_146, %dma_wait3A_147] : memref<1000000x64xf32, #tpu.memory_space<hbm>> -> memref<1000000x64xf32, #tpu.memory_space<hbm>>
    tpu.wait_indirect_dma semaphore(%arg9 : memref<!tpu.dma_semaphore, #tpu.memory_space<semaphore_mem>>) src(%dma_wait3A_148 : memref<1000000x64xf32, #tpu.memory_space<hbm>>) dst(%dma_wait3A_142 : memref<128x64xf32, #tpu.memory_space<vmem>>)
    %dma_wait3A_149 = arith.constant 7 : i32
    %dma_wait3A_150 = arith.constant 896 : i32
    %dma_wait3A_151 = arith.constant 0 : i32
    %dma_wait3A_152 = tpu.memref_slice %arg6[%dma_wait3A_150, %dma_wait3A_151] : memref<1024x64xf32, #tpu.memory_space<vmem>> -> memref<128x64xf32, #tpu.memory_space<vmem>>
    %dma_wait3A_153 = arith.constant 0 : i32
    %dma_wait3A_154 = tpu.memref_slice %arg5[%dma_wait3A_149, %dma_wait3A_153] : memref<8x128xi32, #tpu.memory_space<vmem>> -> memref<1x128xi32, #tpu.memory_space<vmem>>
    %dma_wait3A_155 = tpu.memref_squeeze %dma_wait3A_154 : memref<1x128xi32, #tpu.memory_space<vmem>> -> memref<128xi32, #tpu.memory_space<vmem>>
    %dma_wait3A_156 = arith.constant 0 : i32
    %dma_wait3A_157 = arith.constant 0 : i32
    %dma_wait3A_158 = tpu.memref_slice %arg3[%dma_wait3A_156, %dma_wait3A_157] : memref<1000000x64xf32, #tpu.memory_space<hbm>> -> memref<1000000x64xf32, #tpu.memory_space<hbm>>
    tpu.wait_indirect_dma semaphore(%arg9 : memref<!tpu.dma_semaphore, #tpu.memory_space<semaphore_mem>>) src(%dma_wait3A_158 : memref<1000000x64xf32, #tpu.memory_space<hbm>>) dst(%dma_wait3A_152 : memref<128x64xf32, #tpu.memory_space<vmem>>)
    %scan3A = arith.constant 0 : i32
    %scan3A_159 = arith.constant 0 : i32
    %scan3A_160 = arith.constant 64 : i32
    %scan3A_161 = arith.addi %scan3A_159, %scan3A_160 : i32
    %scan3A_162 = arith.constant 1 : i32
    scf.for %scan3A_164 = %scan3A_159 to %scan3A_161 step %scan3A_162  : i32 {
      %mul3A_165 = arith.constant 16 : i32
      %mul3A_166 = arith.muli %scan3A_164, %mul3A_165 : i32
      %add3A_167 = arith.constant 0 : i32
      %add3A_168 = arith.addi %mul3A_166, %add3A_167 : i32
      %get3A = arith.index_cast %add3A_168 : i32 to index
      %get3A_169 = arith.constant 0 : index
      %get3A_170 = tpu.vector_load %arg6[%get3A, %get3A_169] {strides = array<i32>} : memref<1024x64xf32, #tpu.memory_space<vmem>>, vector<16xf32>,
      %get3A_171 = arith.index_cast %add3A_168 : i32 to index
      %get3A_172 = arith.constant 16 : index
      %get3A_173 = tpu.vector_load %arg6[%get3A_171, %get3A_172] {strides = array<i32>} : memref<1024x64xf32, #tpu.memory_space<vmem>>, vector<16xf32>,
      %add3A_174 = arith.addf %get3A_170, %get3A_173 : vector<16xf32>
      %get3A_175 = arith.index_cast %add3A_168 : i32 to index
      %get3A_176 = arith.constant 32 : index
      %get3A_177 = tpu.vector_load %arg6[%get3A_175, %get3A_176] {strides = array<i32>} : memref<1024x64xf32, #tpu.memory_space<vmem>>, vector<16xf32>,
      %get3A_178 = arith.index_cast %add3A_168 : i32 to index
      %get3A_179 = arith.constant 48 : index
      %get3A_180 = tpu.vector_load %arg6[%get3A_178, %get3A_179] {strides = array<i32>} : memref<1024x64xf32, #tpu.memory_space<vmem>>, vector<16xf32>,
      %add3A_181 = arith.addf %get3A_177, %get3A_180 : vector<16xf32>
      %add3A_182 = arith.addf %add3A_174, %add3A_181 : vector<16xf32>
      %swap3A = arith.constant 0 : index
      %swap3A_183 = tpu.vector_load %arg8[%swap3A] {strides = array<i32>} : memref<256xf32, #tpu.memory_space<vmem>>, vector<16xf32>,
      tpu.vector_store %arg8[%swap3A], %add3A_182 {strides = array<i32>} : memref<256xf32, #tpu.memory_space<vmem>>, vector<16xf32>,
      %add3A_184 = arith.constant 1 : i32
      %add3A_185 = arith.addi %mul3A_166, %add3A_184 : i32
      %get3A_186 = arith.index_cast %add3A_185 : i32 to index
      %get3A_187 = arith.constant 0 : index
      %get3A_188 = tpu.vector_load %arg6[%get3A_186, %get3A_187] {strides = array<i32>} : memref<1024x64xf32, #tpu.memory_space<vmem>>, vector<16xf32>,
      %get3A_189 = arith.index_cast %add3A_185 : i32 to index
      %get3A_190 = arith.constant 16 : index
      %get3A_191 = tpu.vector_load %arg6[%get3A_189, %get3A_190] {strides = array<i32>} : memref<1024x64xf32, #tpu.memory_space<vmem>>, vector<16xf32>,
      %add3A_192 = arith.addf %get3A_188, %get3A_191 : vector<16xf32>
      %get3A_193 = arith.index_cast %add3A_185 : i32 to index
      %get3A_194 = arith.constant 32 : index
      %get3A_195 = tpu.vector_load %arg6[%get3A_193, %get3A_194] {strides = array<i32>} : memref<1024x64xf32, #tpu.memory_space<vmem>>, vector<16xf32>,
      %get3A_196 = arith.index_cast %add3A_185 : i32 to index
      %get3A_197 = arith.constant 48 : index
      %get3A_198 = tpu.vector_load %arg6[%get3A_196, %get3A_197] {strides = array<i32>} : memref<1024x64xf32, #tpu.memory_space<vmem>>, vector<16xf32>,
      %add3A_199 = arith.addf %get3A_195, %get3A_198 : vector<16xf32>
      %add3A_200 = arith.addf %add3A_192, %add3A_199 : vector<16xf32>
      %swap3A_201 = arith.constant 16 : index
      %swap3A_202 = tpu.vector_load %arg8[%swap3A_201] {strides = array<i32>} : memref<256xf32, #tpu.memory_space<vmem>>, vector<16xf32>,
      tpu.vector_store %arg8[%swap3A_201], %add3A_200 {strides = array<i32>} : memref<256xf32, #tpu.memory_space<vmem>>, vector<16xf32>,
      %add3A_203 = arith.constant 2 : i32
      %add3A_204 = arith.addi %mul3A_166, %add3A_203 : i32
      %get3A_205 = arith.index_cast %add3A_204 : i32 to index
      %get3A_206 = arith.constant 0 : index
      %get3A_207 = tpu.vector_load %arg6[%get3A_205, %get3A_206] {strides = array<i32>} : memref<1024x64xf32, #tpu.memory_space<vmem>>, vector<16xf32>,
      %get3A_208 = arith.index_cast %add3A_204 : i32 to index
      %get3A_209 = arith.constant 16 : index
      %get3A_210 = tpu.vector_load %arg6[%get3A_208, %get3A_209] {strides = array<i32>} : memref<1024x64xf32, #tpu.memory_space<vmem>>, vector<16xf32>,
      %add3A_211 = arith.addf %get3A_207, %get3A_210 : vector<16xf32>
      %get3A_212 = arith.index_cast %add3A_204 : i32 to index
      %get3A_213 = arith.constant 32 : index
      %get3A_214 = tpu.vector_load %arg6[%get3A_212, %get3A_213] {strides = array<i32>} : memref<1024x64xf32, #tpu.memory_space<vmem>>, vector<16xf32>,
      %get3A_215 = arith.index_cast %add3A_204 : i32 to index
      %get3A_216 = arith.constant 48 : index
      %get3A_217 = tpu.vector_load %arg6[%get3A_215, %get3A_216] {strides = array<i32>} : memref<1024x64xf32, #tpu.memory_space<vmem>>, vector<16xf32>,
      %add3A_218 = arith.addf %get3A_214, %get3A_217 : vector<16xf32>
      %add3A_219 = arith.addf %add3A_211, %add3A_218 : vector<16xf32>
      %swap3A_220 = arith.constant 32 : index
      %swap3A_221 = tpu.vector_load %arg8[%swap3A_220] {strides = array<i32>} : memref<256xf32, #tpu.memory_space<vmem>>, vector<16xf32>,
      tpu.vector_store %arg8[%swap3A_220], %add3A_219 {strides = array<i32>} : memref<256xf32, #tpu.memory_space<vmem>>, vector<16xf32>,
      %add3A_222 = arith.constant 3 : i32
      %add3A_223 = arith.addi %mul3A_166, %add3A_222 : i32
      %get3A_224 = arith.index_cast %add3A_223 : i32 to index
      %get3A_225 = arith.constant 0 : index
      %get3A_226 = tpu.vector_load %arg6[%get3A_224, %get3A_225] {strides = array<i32>} : memref<1024x64xf32, #tpu.memory_space<vmem>>, vector<16xf32>,
      %get3A_227 = arith.index_cast %add3A_223 : i32 to index
      %get3A_228 = arith.constant 16 : index
      %get3A_229 = tpu.vector_load %arg6[%get3A_227, %get3A_228] {strides = array<i32>} : memref<1024x64xf32, #tpu.memory_space<vmem>>, vector<16xf32>,
      %add3A_230 = arith.addf %get3A_226, %get3A_229 : vector<16xf32>
      %get3A_231 = arith.index_cast %add3A_223 : i32 to index
      %get3A_232 = arith.constant 32 : index
      %get3A_233 = tpu.vector_load %arg6[%get3A_231, %get3A_232] {strides = array<i32>} : memref<1024x64xf32, #tpu.memory_space<vmem>>, vector<16xf32>,
      %get3A_234 = arith.index_cast %add3A_223 : i32 to index
      %get3A_235 = arith.constant 48 : index
      %get3A_236 = tpu.vector_load %arg6[%get3A_234, %get3A_235] {strides = array<i32>} : memref<1024x64xf32, #tpu.memory_space<vmem>>, vector<16xf32>,
      %add3A_237 = arith.addf %get3A_233, %get3A_236 : vector<16xf32>
      %add3A_238 = arith.addf %add3A_230, %add3A_237 : vector<16xf32>
      %swap3A_239 = arith.constant 48 : index
      %swap3A_240 = tpu.vector_load %arg8[%swap3A_239] {strides = array<i32>} : memref<256xf32, #tpu.memory_space<vmem>>, vector<16xf32>,
      tpu.vector_store %arg8[%swap3A_239], %add3A_238 {strides = array<i32>} : memref<256xf32, #tpu.memory_space<vmem>>, vector<16xf32>,
      %add3A_241 = arith.constant 4 : i32
      %add3A_242 = arith.addi %mul3A_166, %add3A_241 : i32
      %get3A_243 = arith.index_cast %add3A_242 : i32 to index
      %get3A_244 = arith.constant 0 : index
      %get3A_245 = tpu.vector_load %arg6[%get3A_243, %get3A_244] {strides = array<i32>} : memref<1024x64xf32, #tpu.memory_space<vmem>>, vector<16xf32>,
      %get3A_246 = arith.index_cast %add3A_242 : i32 to index
      %get3A_247 = arith.constant 16 : index
      %get3A_248 = tpu.vector_load %arg6[%get3A_246, %get3A_247] {strides = array<i32>} : memref<1024x64xf32, #tpu.memory_space<vmem>>, vector<16xf32>,
      %add3A_249 = arith.addf %get3A_245, %get3A_248 : vector<16xf32>
      %get3A_250 = arith.index_cast %add3A_242 : i32 to index
      %get3A_251 = arith.constant 32 : index
      %get3A_252 = tpu.vector_load %arg6[%get3A_250, %get3A_251] {strides = array<i32>} : memref<1024x64xf32, #tpu.memory_space<vmem>>, vector<16xf32>,
      %get3A_253 = arith.index_cast %add3A_242 : i32 to index
      %get3A_254 = arith.constant 48 : index
      %get3A_255 = tpu.vector_load %arg6[%get3A_253, %get3A_254] {strides = array<i32>} : memref<1024x64xf32, #tpu.memory_space<vmem>>, vector<16xf32>,
      %add3A_256 = arith.addf %get3A_252, %get3A_255 : vector<16xf32>
      %add3A_257 = arith.addf %add3A_249, %add3A_256 : vector<16xf32>
      %swap3A_258 = arith.constant 64 : index
      %swap3A_259 = tpu.vector_load %arg8[%swap3A_258] {strides = array<i32>} : memref<256xf32, #tpu.memory_space<vmem>>, vector<16xf32>,
      tpu.vector_store %arg8[%swap3A_258], %add3A_257 {strides = array<i32>} : memref<256xf32, #tpu.memory_space<vmem>>, vector<16xf32>,
      %add3A_260 = arith.constant 5 : i32
      %add3A_261 = arith.addi %mul3A_166, %add3A_260 : i32
      %get3A_262 = arith.index_cast %add3A_261 : i32 to index
      %get3A_263 = arith.constant 0 : index
      %get3A_264 = tpu.vector_load %arg6[%get3A_262, %get3A_263] {strides = array<i32>} : memref<1024x64xf32, #tpu.memory_space<vmem>>, vector<16xf32>,
      %get3A_265 = arith.index_cast %add3A_261 : i32 to index
      %get3A_266 = arith.constant 16 : index
      %get3A_267 = tpu.vector_load %arg6[%get3A_265, %get3A_266] {strides = array<i32>} : memref<1024x64xf32, #tpu.memory_space<vmem>>, vector<16xf32>,
      %add3A_268 = arith.addf %get3A_264, %get3A_267 : vector<16xf32>
      %get3A_269 = arith.index_cast %add3A_261 : i32 to index
      %get3A_270 = arith.constant 32 : index
      %get3A_271 = tpu.vector_load %arg6[%get3A_269, %get3A_270] {strides = array<i32>} : memref<1024x64xf32, #tpu.memory_space<vmem>>, vector<16xf32>,
      %get3A_272 = arith.index_cast %add3A_261 : i32 to index
      %get3A_273 = arith.constant 48 : index
      %get3A_274 = tpu.vector_load %arg6[%get3A_272, %get3A_273] {strides = array<i32>} : memref<1024x64xf32, #tpu.memory_space<vmem>>, vector<16xf32>,
      %add3A_275 = arith.addf %get3A_271, %get3A_274 : vector<16xf32>
      %add3A_276 = arith.addf %add3A_268, %add3A_275 : vector<16xf32>
      %swap3A_277 = arith.constant 80 : index
      %swap3A_278 = tpu.vector_load %arg8[%swap3A_277] {strides = array<i32>} : memref<256xf32, #tpu.memory_space<vmem>>, vector<16xf32>,
      tpu.vector_store %arg8[%swap3A_277], %add3A_276 {strides = array<i32>} : memref<256xf32, #tpu.memory_space<vmem>>, vector<16xf32>,
      %add3A_279 = arith.constant 6 : i32
      %add3A_280 = arith.addi %mul3A_166, %add3A_279 : i32
      %get3A_281 = arith.index_cast %add3A_280 : i32 to index
      %get3A_282 = arith.constant 0 : index
      %get3A_283 = tpu.vector_load %arg6[%get3A_281, %get3A_282] {strides = array<i32>} : memref<1024x64xf32, #tpu.memory_space<vmem>>, vector<16xf32>,
      %get3A_284 = arith.index_cast %add3A_280 : i32 to index
      %get3A_285 = arith.constant 16 : index
      %get3A_286 = tpu.vector_load %arg6[%get3A_284, %get3A_285] {strides = array<i32>} : memref<1024x64xf32, #tpu.memory_space<vmem>>, vector<16xf32>,
      %add3A_287 = arith.addf %get3A_283, %get3A_286 : vector<16xf32>
      %get3A_288 = arith.index_cast %add3A_280 : i32 to index
      %get3A_289 = arith.constant 32 : index
      %get3A_290 = tpu.vector_load %arg6[%get3A_288, %get3A_289] {strides = array<i32>} : memref<1024x64xf32, #tpu.memory_space<vmem>>, vector<16xf32>,
      %get3A_291 = arith.index_cast %add3A_280 : i32 to index
      %get3A_292 = arith.constant 48 : index
      %get3A_293 = tpu.vector_load %arg6[%get3A_291, %get3A_292] {strides = array<i32>} : memref<1024x64xf32, #tpu.memory_space<vmem>>, vector<16xf32>,
      %add3A_294 = arith.addf %get3A_290, %get3A_293 : vector<16xf32>
      %add3A_295 = arith.addf %add3A_287, %add3A_294 : vector<16xf32>
      %swap3A_296 = arith.constant 96 : index
      %swap3A_297 = tpu.vector_load %arg8[%swap3A_296] {strides = array<i32>} : memref<256xf32, #tpu.memory_space<vmem>>, vector<16xf32>,
      tpu.vector_store %arg8[%swap3A_296], %add3A_295 {strides = array<i32>} : memref<256xf32, #tpu.memory_space<vmem>>, vector<16xf32>,
      %add3A_298 = arith.constant 7 : i32
      %add3A_299 = arith.addi %mul3A_166, %add3A_298 : i32
      %get3A_300 = arith.index_cast %add3A_299 : i32 to index
      %get3A_301 = arith.constant 0 : index
      %get3A_302 = tpu.vector_load %arg6[%get3A_300, %get3A_301] {strides = array<i32>} : memref<1024x64xf32, #tpu.memory_space<vmem>>, vector<16xf32>,
      %get3A_303 = arith.index_cast %add3A_299 : i32 to index
      %get3A_304 = arith.constant 16 : index
      %get3A_305 = tpu.vector_load %arg6[%get3A_303, %get3A_304] {strides = array<i32>} : memref<1024x64xf32, #tpu.memory_space<vmem>>, vector<16xf32>,
      %add3A_306 = arith.addf %get3A_302, %get3A_305 : vector<16xf32>
      %get3A_307 = arith.index_cast %add3A_299 : i32 to index
      %get3A_308 = arith.constant 32 : index
      %get3A_309 = tpu.vector_load %arg6[%get3A_307, %get3A_308] {strides = array<i32>} : memref<1024x64xf32, #tpu.memory_space<vmem>>, vector<16xf32>,
      %get3A_310 = arith.index_cast %add3A_299 : i32 to index
      %get3A_311 = arith.constant 48 : index
      %get3A_312 = tpu.vector_load %arg6[%get3A_310, %get3A_311] {strides = array<i32>} : memref<1024x64xf32, #tpu.memory_space<vmem>>, vector<16xf32>,
      %add3A_313 = arith.addf %get3A_309, %get3A_312 : vector<16xf32>
      %add3A_314 = arith.addf %add3A_306, %add3A_313 : vector<16xf32>
      %swap3A_315 = arith.constant 112 : index
      %swap3A_316 = tpu.vector_load %arg8[%swap3A_315] {strides = array<i32>} : memref<256xf32, #tpu.memory_space<vmem>>, vector<16xf32>,
      tpu.vector_store %arg8[%swap3A_315], %add3A_314 {strides = array<i32>} : memref<256xf32, #tpu.memory_space<vmem>>, vector<16xf32>,
      %add3A_317 = arith.constant 8 : i32
      %add3A_318 = arith.addi %mul3A_166, %add3A_317 : i32
      %get3A_319 = arith.index_cast %add3A_318 : i32 to index
      %get3A_320 = arith.constant 0 : index
      %get3A_321 = tpu.vector_load %arg6[%get3A_319, %get3A_320] {strides = array<i32>} : memref<1024x64xf32, #tpu.memory_space<vmem>>, vector<16xf32>,
      %get3A_322 = arith.index_cast %add3A_318 : i32 to index
      %get3A_323 = arith.constant 16 : index
      %get3A_324 = tpu.vector_load %arg6[%get3A_322, %get3A_323] {strides = array<i32>} : memref<1024x64xf32, #tpu.memory_space<vmem>>, vector<16xf32>,
      %add3A_325 = arith.addf %get3A_321, %get3A_324 : vector<16xf32>
      %get3A_326 = arith.index_cast %add3A_318 : i32 to index
      %get3A_327 = arith.constant 32 : index
      %get3A_328 = tpu.vector_load %arg6[%get3A_326, %get3A_327] {strides = array<i32>} : memref<1024x64xf32, #tpu.memory_space<vmem>>, vector<16xf32>,
      %get3A_329 = arith.index_cast %add3A_318 : i32 to index
      %get3A_330 = arith.constant 48 : index
      %get3A_331 = tpu.vector_load %arg6[%get3A_329, %get3A_330] {strides = array<i32>} : memref<1024x64xf32, #tpu.memory_space<vmem>>, vector<16xf32>,
      %add3A_332 = arith.addf %get3A_328, %get3A_331 : vector<16xf32>
      %add3A_333 = arith.addf %add3A_325, %add3A_332 : vector<16xf32>
      %swap3A_334 = arith.constant 128 : index
      %swap3A_335 = tpu.vector_load %arg8[%swap3A_334] {strides = array<i32>} : memref<256xf32, #tpu.memory_space<vmem>>, vector<16xf32>,
      tpu.vector_store %arg8[%swap3A_334], %add3A_333 {strides = array<i32>} : memref<256xf32, #tpu.memory_space<vmem>>, vector<16xf32>,
      %add3A_336 = arith.constant 9 : i32
      %add3A_337 = arith.addi %mul3A_166, %add3A_336 : i32
      %get3A_338 = arith.index_cast %add3A_337 : i32 to index
      %get3A_339 = arith.constant 0 : index
      %get3A_340 = tpu.vector_load %arg6[%get3A_338, %get3A_339] {strides = array<i32>} : memref<1024x64xf32, #tpu.memory_space<vmem>>, vector<16xf32>,
      %get3A_341 = arith.index_cast %add3A_337 : i32 to index
      %get3A_342 = arith.constant 16 : index
      %get3A_343 = tpu.vector_load %arg6[%get3A_341, %get3A_342] {strides = array<i32>} : memref<1024x64xf32, #tpu.memory_space<vmem>>, vector<16xf32>,
      %add3A_344 = arith.addf %get3A_340, %get3A_343 : vector<16xf32>
      %get3A_345 = arith.index_cast %add3A_337 : i32 to index
      %get3A_346 = arith.constant 32 : index
      %get3A_347 = tpu.vector_load %arg6[%get3A_345, %get3A_346] {strides = array<i32>} : memref<1024x64xf32, #tpu.memory_space<vmem>>, vector<16xf32>,
      %get3A_348 = arith.index_cast %add3A_337 : i32 to index
      %get3A_349 = arith.constant 48 : index
      %get3A_350 = tpu.vector_load %arg6[%get3A_348, %get3A_349] {strides = array<i32>} : memref<1024x64xf32, #tpu.memory_space<vmem>>, vector<16xf32>,
      %add3A_351 = arith.addf %get3A_347, %get3A_350 : vector<16xf32>
      %add3A_352 = arith.addf %add3A_344, %add3A_351 : vector<16xf32>
      %swap3A_353 = arith.constant 144 : index
      %swap3A_354 = tpu.vector_load %arg8[%swap3A_353] {strides = array<i32>} : memref<256xf32, #tpu.memory_space<vmem>>, vector<16xf32>,
      tpu.vector_store %arg8[%swap3A_353], %add3A_352 {strides = array<i32>} : memref<256xf32, #tpu.memory_space<vmem>>, vector<16xf32>,
      %add3A_355 = arith.constant 10 : i32
      %add3A_356 = arith.addi %mul3A_166, %add3A_355 : i32
      %get3A_357 = arith.index_cast %add3A_356 : i32 to index
      %get3A_358 = arith.constant 0 : index
      %get3A_359 = tpu.vector_load %arg6[%get3A_357, %get3A_358] {strides = array<i32>} : memref<1024x64xf32, #tpu.memory_space<vmem>>, vector<16xf32>,
      %get3A_360 = arith.index_cast %add3A_356 : i32 to index
      %get3A_361 = arith.constant 16 : index
      %get3A_362 = tpu.vector_load %arg6[%get3A_360, %get3A_361] {strides = array<i32>} : memref<1024x64xf32, #tpu.memory_space<vmem>>, vector<16xf32>,
      %add3A_363 = arith.addf %get3A_359, %get3A_362 : vector<16xf32>
      %get3A_364 = arith.index_cast %add3A_356 : i32 to index
      %get3A_365 = arith.constant 32 : index
      %get3A_366 = tpu.vector_load %arg6[%get3A_364, %get3A_365] {strides = array<i32>} : memref<1024x64xf32, #tpu.memory_space<vmem>>, vector<16xf32>,
      %get3A_367 = arith.index_cast %add3A_356 : i32 to index
      %get3A_368 = arith.constant 48 : index
      %get3A_369 = tpu.vector_load %arg6[%get3A_367, %get3A_368] {strides = array<i32>} : memref<1024x64xf32, #tpu.memory_space<vmem>>, vector<16xf32>,
      %add3A_370 = arith.addf %get3A_366, %get3A_369 : vector<16xf32>
      %add3A_371 = arith.addf %add3A_363, %add3A_370 : vector<16xf32>
      %swap3A_372 = arith.constant 160 : index
      %swap3A_373 = tpu.vector_load %arg8[%swap3A_372] {strides = array<i32>} : memref<256xf32, #tpu.memory_space<vmem>>, vector<16xf32>,
      tpu.vector_store %arg8[%swap3A_372], %add3A_371 {strides = array<i32>} : memref<256xf32, #tpu.memory_space<vmem>>, vector<16xf32>,
      %add3A_374 = arith.constant 11 : i32
      %add3A_375 = arith.addi %mul3A_166, %add3A_374 : i32
      %get3A_376 = arith.index_cast %add3A_375 : i32 to index
      %get3A_377 = arith.constant 0 : index
      %get3A_378 = tpu.vector_load %arg6[%get3A_376, %get3A_377] {strides = array<i32>} : memref<1024x64xf32, #tpu.memory_space<vmem>>, vector<16xf32>,
      %get3A_379 = arith.index_cast %add3A_375 : i32 to index
      %get3A_380 = arith.constant 16 : index
      %get3A_381 = tpu.vector_load %arg6[%get3A_379, %get3A_380] {strides = array<i32>} : memref<1024x64xf32, #tpu.memory_space<vmem>>, vector<16xf32>,
      %add3A_382 = arith.addf %get3A_378, %get3A_381 : vector<16xf32>
      %get3A_383 = arith.index_cast %add3A_375 : i32 to index
      %get3A_384 = arith.constant 32 : index
      %get3A_385 = tpu.vector_load %arg6[%get3A_383, %get3A_384] {strides = array<i32>} : memref<1024x64xf32, #tpu.memory_space<vmem>>, vector<16xf32>,
      %get3A_386 = arith.index_cast %add3A_375 : i32 to index
      %get3A_387 = arith.constant 48 : index
      %get3A_388 = tpu.vector_load %arg6[%get3A_386, %get3A_387] {strides = array<i32>} : memref<1024x64xf32, #tpu.memory_space<vmem>>, vector<16xf32>,
      %add3A_389 = arith.addf %get3A_385, %get3A_388 : vector<16xf32>
      %add3A_390 = arith.addf %add3A_382, %add3A_389 : vector<16xf32>
      %swap3A_391 = arith.constant 176 : index
      %swap3A_392 = tpu.vector_load %arg8[%swap3A_391] {strides = array<i32>} : memref<256xf32, #tpu.memory_space<vmem>>, vector<16xf32>,
      tpu.vector_store %arg8[%swap3A_391], %add3A_390 {strides = array<i32>} : memref<256xf32, #tpu.memory_space<vmem>>, vector<16xf32>,
      %add3A_393 = arith.constant 12 : i32
      %add3A_394 = arith.addi %mul3A_166, %add3A_393 : i32
      %get3A_395 = arith.index_cast %add3A_394 : i32 to index
      %get3A_396 = arith.constant 0 : index
      %get3A_397 = tpu.vector_load %arg6[%get3A_395, %get3A_396] {strides = array<i32>} : memref<1024x64xf32, #tpu.memory_space<vmem>>, vector<16xf32>,
      %get3A_398 = arith.index_cast %add3A_394 : i32 to index
      %get3A_399 = arith.constant 16 : index
      %get3A_400 = tpu.vector_load %arg6[%get3A_398, %get3A_399] {strides = array<i32>} : memref<1024x64xf32, #tpu.memory_space<vmem>>, vector<16xf32>,
      %add3A_401 = arith.addf %get3A_397, %get3A_400 : vector<16xf32>
      %get3A_402 = arith.index_cast %add3A_394 : i32 to index
      %get3A_403 = arith.constant 32 : index
      %get3A_404 = tpu.vector_load %arg6[%get3A_402, %get3A_403] {strides = array<i32>} : memref<1024x64xf32, #tpu.memory_space<vmem>>, vector<16xf32>,
      %get3A_405 = arith.index_cast %add3A_394 : i32 to index
      %get3A_406 = arith.constant 48 : index
      %get3A_407 = tpu.vector_load %arg6[%get3A_405, %get3A_406] {strides = array<i32>} : memref<1024x64xf32, #tpu.memory_space<vmem>>, vector<16xf32>,
      %add3A_408 = arith.addf %get3A_404, %get3A_407 : vector<16xf32>
      %add3A_409 = arith.addf %add3A_401, %add3A_408 : vector<16xf32>
      %swap3A_410 = arith.constant 192 : index
      %swap3A_411 = tpu.vector_load %arg8[%swap3A_410] {strides = array<i32>} : memref<256xf32, #tpu.memory_space<vmem>>, vector<16xf32>,
      tpu.vector_store %arg8[%swap3A_410], %add3A_409 {strides = array<i32>} : memref<256xf32, #tpu.memory_space<vmem>>, vector<16xf32>,
      %add3A_412 = arith.constant 13 : i32
      %add3A_413 = arith.addi %mul3A_166, %add3A_412 : i32
      %get3A_414 = arith.index_cast %add3A_413 : i32 to index
      %get3A_415 = arith.constant 0 : index
      %get3A_416 = tpu.vector_load %arg6[%get3A_414, %get3A_415] {strides = array<i32>} : memref<1024x64xf32, #tpu.memory_space<vmem>>, vector<16xf32>,
      %get3A_417 = arith.index_cast %add3A_413 : i32 to index
      %get3A_418 = arith.constant 16 : index
      %get3A_419 = tpu.vector_load %arg6[%get3A_417, %get3A_418] {strides = array<i32>} : memref<1024x64xf32, #tpu.memory_space<vmem>>, vector<16xf32>,
      %add3A_420 = arith.addf %get3A_416, %get3A_419 : vector<16xf32>
      %get3A_421 = arith.index_cast %add3A_413 : i32 to index
      %get3A_422 = arith.constant 32 : index
      %get3A_423 = tpu.vector_load %arg6[%get3A_421, %get3A_422] {strides = array<i32>} : memref<1024x64xf32, #tpu.memory_space<vmem>>, vector<16xf32>,
      %get3A_424 = arith.index_cast %add3A_413 : i32 to index
      %get3A_425 = arith.constant 48 : index
      %get3A_426 = tpu.vector_load %arg6[%get3A_424, %get3A_425] {strides = array<i32>} : memref<1024x64xf32, #tpu.memory_space<vmem>>, vector<16xf32>,
      %add3A_427 = arith.addf %get3A_423, %get3A_426 : vector<16xf32>
      %add3A_428 = arith.addf %add3A_420, %add3A_427 : vector<16xf32>
      %swap3A_429 = arith.constant 208 : index
      %swap3A_430 = tpu.vector_load %arg8[%swap3A_429] {strides = array<i32>} : memref<256xf32, #tpu.memory_space<vmem>>, vector<16xf32>,
      tpu.vector_store %arg8[%swap3A_429], %add3A_428 {strides = array<i32>} : memref<256xf32, #tpu.memory_space<vmem>>, vector<16xf32>,
      %add3A_431 = arith.constant 14 : i32
      %add3A_432 = arith.addi %mul3A_166, %add3A_431 : i32
      %get3A_433 = arith.index_cast %add3A_432 : i32 to index
      %get3A_434 = arith.constant 0 : index
      %get3A_435 = tpu.vector_load %arg6[%get3A_433, %get3A_434] {strides = array<i32>} : memref<1024x64xf32, #tpu.memory_space<vmem>>, vector<16xf32>,
      %get3A_436 = arith.index_cast %add3A_432 : i32 to index
      %get3A_437 = arith.constant 16 : index
      %get3A_438 = tpu.vector_load %arg6[%get3A_436, %get3A_437] {strides = array<i32>} : memref<1024x64xf32, #tpu.memory_space<vmem>>, vector<16xf32>,
      %add3A_439 = arith.addf %get3A_435, %get3A_438 : vector<16xf32>
      %get3A_440 = arith.index_cast %add3A_432 : i32 to index
      %get3A_441 = arith.constant 32 : index
      %get3A_442 = tpu.vector_load %arg6[%get3A_440, %get3A_441] {strides = array<i32>} : memref<1024x64xf32, #tpu.memory_space<vmem>>, vector<16xf32>,
      %get3A_443 = arith.index_cast %add3A_432 : i32 to index
      %get3A_444 = arith.constant 48 : index
      %get3A_445 = tpu.vector_load %arg6[%get3A_443, %get3A_444] {strides = array<i32>} : memref<1024x64xf32, #tpu.memory_space<vmem>>, vector<16xf32>,
      %add3A_446 = arith.addf %get3A_442, %get3A_445 : vector<16xf32>
      %add3A_447 = arith.addf %add3A_439, %add3A_446 : vector<16xf32>
      %swap3A_448 = arith.constant 224 : index
      %swap3A_449 = tpu.vector_load %arg8[%swap3A_448] {strides = array<i32>} : memref<256xf32, #tpu.memory_space<vmem>>, vector<16xf32>,
      tpu.vector_store %arg8[%swap3A_448], %add3A_447 {strides = array<i32>} : memref<256xf32, #tpu.memory_space<vmem>>, vector<16xf32>,
      %add3A_450 = arith.constant 15 : i32
      %add3A_451 = arith.addi %mul3A_166, %add3A_450 : i32
      %get3A_452 = arith.index_cast %add3A_451 : i32 to index
      %get3A_453 = arith.constant 0 : index
      %get3A_454 = tpu.vector_load %arg6[%get3A_452, %get3A_453] {strides = array<i32>} : memref<1024x64xf32, #tpu.memory_space<vmem>>, vector<16xf32>,
      %get3A_455 = arith.index_cast %add3A_451 : i32 to index
      %get3A_456 = arith.constant 16 : index
      %get3A_457 = tpu.vector_load %arg6[%get3A_455, %get3A_456] {strides = array<i32>} : memref<1024x64xf32, #tpu.memory_space<vmem>>, vector<16xf32>,
      %add3A_458 = arith.addf %get3A_454, %get3A_457 : vector<16xf32>
      %get3A_459 = arith.index_cast %add3A_451 : i32 to index
      %get3A_460 = arith.constant 32 : index
      %get3A_461 = tpu.vector_load %arg6[%get3A_459, %get3A_460] {strides = array<i32>} : memref<1024x64xf32, #tpu.memory_space<vmem>>, vector<16xf32>,
      %get3A_462 = arith.index_cast %add3A_451 : i32 to index
      %get3A_463 = arith.constant 48 : index
      %get3A_464 = tpu.vector_load %arg6[%get3A_462, %get3A_463] {strides = array<i32>} : memref<1024x64xf32, #tpu.memory_space<vmem>>, vector<16xf32>,
      %add3A_465 = arith.addf %get3A_461, %get3A_464 : vector<16xf32>
      %add3A_466 = arith.addf %add3A_458, %add3A_465 : vector<16xf32>
      %swap3A_467 = arith.constant 240 : index
      %swap3A_468 = tpu.vector_load %arg8[%swap3A_467] {strides = array<i32>} : memref<256xf32, #tpu.memory_space<vmem>>, vector<16xf32>,
      tpu.vector_store %arg8[%swap3A_467], %add3A_466 {strides = array<i32>} : memref<256xf32, #tpu.memory_space<vmem>>, vector<16xf32>,
      %iota3A = tpu.iota {dimensions = array<i32: 0>} : vector<16xi32>
      %mul3A_469 = arith.constant 16 : i32
      %mul3A_470 = vector.broadcast %mul3A_469 : i32 to vector<16xi32>
      %mul3A_471 = arith.muli %iota3A, %mul3A_470 : vector<16xi32>
      %broadcast_in_dim3A = arith.constant 0.000000e+00 : f32
      %broadcast_in_dim3A_472 = vector.broadcast %broadcast_in_dim3A : f32 to vector<16xf32>
      %add3A_473 = arith.constant 0 : i32
      %add3A_474 = vector.broadcast %add3A_473 : i32 to vector<16xi32>
      %add3A_475 = arith.addi %mul3A_471, %add3A_474 : vector<16xi32>
      %gather3A = tpu.vector_load_idx %arg8[%add3A_475] : memref<256xf32, #tpu.memory_space<vmem>>[vector<16xi32>], vector<16xf32>,
      %add3A_476 = arith.addf %broadcast_in_dim3A_472, %gather3A : vector<16xf32>
      %add3A_477 = arith.constant 1 : i32
      %add3A_478 = vector.broadcast %add3A_477 : i32 to vector<16xi32>
      %add3A_479 = arith.addi %mul3A_471, %add3A_478 : vector<16xi32>
      %gather3A_480 = tpu.vector_load_idx %arg8[%add3A_479] : memref<256xf32, #tpu.memory_space<vmem>>[vector<16xi32>], vector<16xf32>,
      %add3A_481 = arith.addf %add3A_476, %gather3A_480 : vector<16xf32>
      %add3A_482 = arith.constant 2 : i32
      %add3A_483 = vector.broadcast %add3A_482 : i32 to vector<16xi32>
      %add3A_484 = arith.addi %mul3A_471, %add3A_483 : vector<16xi32>
      %gather3A_485 = tpu.vector_load_idx %arg8[%add3A_484] : memref<256xf32, #tpu.memory_space<vmem>>[vector<16xi32>], vector<16xf32>,
      %add3A_486 = arith.addf %add3A_481, %gather3A_485 : vector<16xf32>
      %add3A_487 = arith.constant 3 : i32
      %add3A_488 = vector.broadcast %add3A_487 : i32 to vector<16xi32>
      %add3A_489 = arith.addi %mul3A_471, %add3A_488 : vector<16xi32>
      %gather3A_490 = tpu.vector_load_idx %arg8[%add3A_489] : memref<256xf32, #tpu.memory_space<vmem>>[vector<16xi32>], vector<16xf32>,
      %add3A_491 = arith.addf %add3A_486, %gather3A_490 : vector<16xf32>
      %add3A_492 = arith.constant 4 : i32
      %add3A_493 = vector.broadcast %add3A_492 : i32 to vector<16xi32>
      %add3A_494 = arith.addi %mul3A_471, %add3A_493 : vector<16xi32>
      %gather3A_495 = tpu.vector_load_idx %arg8[%add3A_494] : memref<256xf32, #tpu.memory_space<vmem>>[vector<16xi32>], vector<16xf32>,
      %add3A_496 = arith.addf %add3A_491, %gather3A_495 : vector<16xf32>
      %add3A_497 = arith.constant 5 : i32
      %add3A_498 = vector.broadcast %add3A_497 : i32 to vector<16xi32>
      %add3A_499 = arith.addi %mul3A_471, %add3A_498 : vector<16xi32>
      %gather3A_500 = tpu.vector_load_idx %arg8[%add3A_499] : memref<256xf32, #tpu.memory_space<vmem>>[vector<16xi32>], vector<16xf32>,
      %add3A_501 = arith.addf %add3A_496, %gather3A_500 : vector<16xf32>
      %add3A_502 = arith.constant 6 : i32
      %add3A_503 = vector.broadcast %add3A_502 : i32 to vector<16xi32>
      %add3A_504 = arith.addi %mul3A_471, %add3A_503 : vector<16xi32>
      %gather3A_505 = tpu.vector_load_idx %arg8[%add3A_504] : memref<256xf32, #tpu.memory_space<vmem>>[vector<16xi32>], vector<16xf32>,
      %add3A_506 = arith.addf %add3A_501, %gather3A_505 : vector<16xf32>
      %add3A_507 = arith.constant 7 : i32
      %add3A_508 = vector.broadcast %add3A_507 : i32 to vector<16xi32>
      %add3A_509 = arith.addi %mul3A_471, %add3A_508 : vector<16xi32>
      %gather3A_510 = tpu.vector_load_idx %arg8[%add3A_509] : memref<256xf32, #tpu.memory_space<vmem>>[vector<16xi32>], vector<16xf32>,
      %add3A_511 = arith.addf %add3A_506, %gather3A_510 : vector<16xf32>
      %add3A_512 = arith.constant 8 : i32
      %add3A_513 = vector.broadcast %add3A_512 : i32 to vector<16xi32>
      %add3A_514 = arith.addi %mul3A_471, %add3A_513 : vector<16xi32>
      %gather3A_515 = tpu.vector_load_idx %arg8[%add3A_514] : memref<256xf32, #tpu.memory_space<vmem>>[vector<16xi32>], vector<16xf32>,
      %add3A_516 = arith.addf %add3A_511, %gather3A_515 : vector<16xf32>
      %add3A_517 = arith.constant 9 : i32
      %add3A_518 = vector.broadcast %add3A_517 : i32 to vector<16xi32>
      %add3A_519 = arith.addi %mul3A_471, %add3A_518 : vector<16xi32>
      %gather3A_520 = tpu.vector_load_idx %arg8[%add3A_519] : memref<256xf32, #tpu.memory_space<vmem>>[vector<16xi32>], vector<16xf32>,
      %add3A_521 = arith.addf %add3A_516, %gather3A_520 : vector<16xf32>
      %add3A_522 = arith.constant 10 : i32
      %add3A_523 = vector.broadcast %add3A_522 : i32 to vector<16xi32>
      %add3A_524 = arith.addi %mul3A_471, %add3A_523 : vector<16xi32>
      %gather3A_525 = tpu.vector_load_idx %arg8[%add3A_524] : memref<256xf32, #tpu.memory_space<vmem>>[vector<16xi32>], vector<16xf32>,
      %add3A_526 = arith.addf %add3A_521, %gather3A_525 : vector<16xf32>
      %add3A_527 = arith.constant 11 : i32
      %add3A_528 = vector.broadcast %add3A_527 : i32 to vector<16xi32>
      %add3A_529 = arith.addi %mul3A_471, %add3A_528 : vector<16xi32>
      %gather3A_530 = tpu.vector_load_idx %arg8[%add3A_529] : memref<256xf32, #tpu.memory_space<vmem>>[vector<16xi32>], vector<16xf32>,
      %add3A_531 = arith.addf %add3A_526, %gather3A_530 : vector<16xf32>
      %add3A_532 = arith.constant 12 : i32
      %add3A_533 = vector.broadcast %add3A_532 : i32 to vector<16xi32>
      %add3A_534 = arith.addi %mul3A_471, %add3A_533 : vector<16xi32>
      %gather3A_535 = tpu.vector_load_idx %arg8[%add3A_534] : memref<256xf32, #tpu.memory_space<vmem>>[vector<16xi32>], vector<16xf32>,
      %add3A_536 = arith.addf %add3A_531, %gather3A_535 : vector<16xf32>
      %add3A_537 = arith.constant 13 : i32
      %add3A_538 = vector.broadcast %add3A_537 : i32 to vector<16xi32>
      %add3A_539 = arith.addi %mul3A_471, %add3A_538 : vector<16xi32>
      %gather3A_540 = tpu.vector_load_idx %arg8[%add3A_539] : memref<256xf32, #tpu.memory_space<vmem>>[vector<16xi32>], vector<16xf32>,
      %add3A_541 = arith.addf %add3A_536, %gather3A_540 : vector<16xf32>
      %add3A_542 = arith.constant 14 : i32
      %add3A_543 = vector.broadcast %add3A_542 : i32 to vector<16xi32>
      %add3A_544 = arith.addi %mul3A_471, %add3A_543 : vector<16xi32>
      %gather3A_545 = tpu.vector_load_idx %arg8[%add3A_544] : memref<256xf32, #tpu.memory_space<vmem>>[vector<16xi32>], vector<16xf32>,
      %add3A_546 = arith.addf %add3A_541, %gather3A_545 : vector<16xf32>
      %add3A_547 = arith.constant 15 : i32
      %add3A_548 = vector.broadcast %add3A_547 : i32 to vector<16xi32>
      %add3A_549 = arith.addi %mul3A_471, %add3A_548 : vector<16xi32>
      %gather3A_550 = tpu.vector_load_idx %arg8[%add3A_549] : memref<256xf32, #tpu.memory_space<vmem>>[vector<16xi32>], vector<16xf32>,
      %add3A_551 = arith.addf %add3A_546, %gather3A_550 : vector<16xf32>
      %swap3A_552 = arith.index_cast %mul3A_166 : i32 to index
      %swap3A_553 = tpu.vector_load %arg7[%swap3A_552] {strides = array<i32>} : memref<1024xf32, #tpu.memory_space<vmem>>, vector<16xf32>,
      tpu.vector_store %arg7[%swap3A_552], %add3A_551 {strides = array<i32>} : memref<1024xf32, #tpu.memory_space<vmem>>, vector<16xf32>,
    }
    %scan3A_163 = arith.constant 64 : i32
    "tpu.region"() ({
      %run_scoped3A = tpu.sem_alloc : memref<!tpu.dma_semaphore, #tpu.memory_space<semaphore_mem>>
      %dma_start3A_164 = arith.constant 0 : i32
      %dma_start3A_165 = tpu.memref_slice %arg4[%add3A, %dma_start3A_164] : memref<32x1024xf32, #tpu.memory_space<hbm>> -> memref<1x1024xf32, #tpu.memory_space<hbm>>
      %dma_start3A_166 = tpu.memref_squeeze %dma_start3A_165 : memref<1x1024xf32, #tpu.memory_space<hbm>> -> memref<1024xf32, #tpu.memory_space<hbm>>
      %dma_start3A_167 = arith.constant 0 : i32
      %dma_start3A_168 = tpu.memref_slice %arg4[%add3A, %dma_start3A_167] : memref<32x1024xf32, #tpu.memory_space<hbm>> -> memref<1x1024xf32, #tpu.memory_space<hbm>>
      %dma_start3A_169 = tpu.memref_squeeze %dma_start3A_168 : memref<1x1024xf32, #tpu.memory_space<hbm>> -> memref<1024xf32, #tpu.memory_space<hbm>>
      tpu.enqueue_dma source(%arg7 : memref<1024xf32, #tpu.memory_space<vmem>>) target(%dma_start3A_169 : memref<1024xf32, #tpu.memory_space<hbm>>) target_semaphore(%run_scoped3A : memref<!tpu.dma_semaphore, #tpu.memory_space<semaphore_mem>>)
      %dma_wait3A_170 = arith.constant 0 : i32
      %dma_wait3A_171 = tpu.memref_slice %arg4[%add3A, %dma_wait3A_170] : memref<32x1024xf32, #tpu.memory_space<hbm>> -> memref<1x1024xf32, #tpu.memory_space<hbm>>
      %dma_wait3A_172 = tpu.memref_squeeze %dma_wait3A_171 : memref<1x1024xf32, #tpu.memory_space<hbm>> -> memref<1024xf32, #tpu.memory_space<hbm>>
      %dma_wait3A_173 = arith.constant 0 : i32
      %dma_wait3A_174 = tpu.memref_slice %arg4[%add3A, %dma_wait3A_173] : memref<32x1024xf32, #tpu.memory_space<hbm>> -> memref<1x1024xf32, #tpu.memory_space<hbm>>
      %dma_wait3A_175 = tpu.memref_squeeze %dma_wait3A_174 : memref<1x1024xf32, #tpu.memory_space<hbm>> -> memref<1024xf32, #tpu.memory_space<hbm>>
      tpu.wait_dma2 semaphore(%run_scoped3A : memref<!tpu.dma_semaphore, #tpu.memory_space<semaphore_mem>>) src(%arg7 : memref<1024xf32, #tpu.memory_space<vmem>>) dst(%dma_wait3A_175 : memref<1024xf32, #tpu.memory_space<hbm>>)
      tpu.yield
    }) : () -> ()
    return
  }
}

module attributes {stable_mosaic.version = 14 : i64} {
  func.func @_loss_body(%arg0: memref<256x128xf32, #tpu.memory_space<vmem>>, %arg1: memref<1x1xf32, #tpu.memory_space<vmem>>) attributes {dimension_semantics = [], scalar_prefetch = 0 : i64, scratch_operands = 0 : i64, tpu.core_type = #tpu.core_type<tc>} {
    %get3A = arith.constant 0 : index
    %get3A_0 = arith.constant 0 : index
    %get3A_1 = vector.load %arg0[%get3A, %get3A_0] : memref<256x128xf32, #tpu.memory_space<vmem>>, vector<256x128xf32>
    %slice3A = vector.extract_strided_slice %get3A_1 {offsets = [0, 0], sizes = [128, 128], strides = [1, 1]} : vector<256x128xf32> to vector<128x128xf32>
    %slice3A_2 = vector.extract_strided_slice %get3A_1 {offsets = [128, 0], sizes = [128, 128], strides = [1, 1]} : vector<256x128xf32> to vector<128x128xf32>
    %neg3A = arith.constant 0.000000e+00 : f32
    %neg3A_3 = vector.broadcast %neg3A : f32 to vector<128x128xf32>
    %neg3A_4 = arith.subf %neg3A_3, %slice3A : vector<128x128xf32>
    %exp3A = math.exp %neg3A_4 : vector<128x128xf32>
    %log1p3A = math.log1p %exp3A : vector<128x128xf32>
    %exp3A_5 = math.exp %slice3A_2 : vector<128x128xf32>
    %log1p3A_6 = math.log1p %exp3A_5 : vector<128x128xf32>
    %reduce_sum3A = vector.shape_cast %log1p3A : vector<128x128xf32> to vector<1x128x128xf32>
    %reduce_sum3A_7 = arith.constant dense<0.000000e+00> : vector<1xf32>
    %reduce_sum3A_8 = vector.multi_reduction <add>, %reduce_sum3A, %reduce_sum3A_7 [1, 2] : vector<1x128x128xf32> to vector<1xf32>
    %reduce_sum3A_9 = vector.shape_cast %reduce_sum3A_8 : vector<1xf32> to vector<1x1x1xf32>
    %reduce_sum3A_10 = vector.extract %reduce_sum3A_9[0, 0, 0] : f32 from vector<1x1x1xf32>
    %reduce_sum3A_11 = vector.shape_cast %log1p3A_6 : vector<128x128xf32> to vector<1x128x128xf32>
    %reduce_sum3A_12 = arith.constant dense<0.000000e+00> : vector<1xf32>
    %reduce_sum3A_13 = vector.multi_reduction <add>, %reduce_sum3A_11, %reduce_sum3A_12 [1, 2] : vector<1x128x128xf32> to vector<1xf32>
    %reduce_sum3A_14 = vector.shape_cast %reduce_sum3A_13 : vector<1xf32> to vector<1x1x1xf32>
    %reduce_sum3A_15 = vector.extract %reduce_sum3A_14[0, 0, 0] : f32 from vector<1x1x1xf32>
    %add3A = arith.addf %reduce_sum3A_10, %reduce_sum3A_15 : f32
    %div3A = arith.constant 1.638400e+04 : f32
    %div3A_16 = arith.divf %add3A, %div3A : f32
    %reshape3A = vector.broadcast %div3A_16 : f32 to vector<1x1xf32>
    %swap3A = arith.constant 0 : index
    %swap3A_17 = arith.constant 0 : index
    %swap3A_18 = vector.load %arg1[%swap3A, %swap3A_17] : memref<1x1xf32, #tpu.memory_space<vmem>>, vector<1x1xf32>
    tpu.vector_store %arg1[%swap3A, %swap3A_17], %reshape3A {strides = array<i32>} : memref<1x1xf32, #tpu.memory_space<vmem>>, vector<1x1xf32>,
    return
  }
}

</mosaic_0001>

<sc_bundles>
// kernel: kernel.4.cloned.1.call-start
scs
__scs_entry_jumppad:
0x0: {  	(pc) =	sbr.rel $0x88, $3  }
0x1: {  	(tag) =	ssettag $0x0;
	lr =	simm.s32 $0x1  }
0x2: {  	[smem:$0x3F9E] =	sst lr;
	_ =	strace $0xD0000000  }
0x3: {  	_ = 	snop  }
0x4: {  	_ = 	snop  }
0x5: {  	_ = 	snop  }
0x6: {  	_ = 	snop  }
0x7: {  	_ = 	snop  }
__scs_overlays_trampoline_lowered:
0x8: {  	[smem:$0x3FAD] =	sst s0  }
0x9: {  	[smem:$0x3FAE] =	sst s1  }
0xa: {  	[smem:$0x3FAF] =	sst s2  }
0xb: {  	[smem:$0x3FB0] =	sst s3  }
0xc: {  	[smem:$0x3FB1] =	sst s4  }
0xd: {  	[smem:$0x3FB2] =	sst s5  }
0xe: {  	[smem:$0x3FB3] =	sst s6  }
0xf: {  	[smem:$0x3FB4] =	sst s7  }
0x10: {  	[smem:$0x3FB5] =	sst s8  }
0x11: {  	[smem:$0x3FB6] =	sst s9;
	s0 =	simm.s32 @!p0 $0x0  }
0x12: {  	s1 =	sld [smem:$0x3F9C];
	s0 =	simm.s32 @p0 $0x1  }
0x13: {  	[smem:$0x3FB7] =	sst s0;
	s0 =	simm.s32 @!p1 $0x0  }
0x14: {  	s2 =	sld [smem:$0x3F9B];
	s0 =	simm.s32 @p1 $0x1  }
0x15: {  	[smem:$0x3FB8] =	sst s0;
	s0 =	simm.s32 @!p2 $0x0  }
0x16: {  	s3 =	sld [smem:$0x3FDB];
	s0 =	simm.s32 @p2 $0x1  }
0x17: {  	s4 =	simm.s32 $0x1BF5;
	[smem:$0x3FBA] =	sst s0  }
0x18: {  	s0 =	sld [smem:$0x3F9D];
	_ =	swait.ge [sflag:s4], $0x0  }
0x19: {  	s7 =	sld [smem:$0x3F9E]  }
0x1a: {  	s8 =	sadd.s32 $0xFFFFE003, lr  }
0x1b: {  	s9 =	sadd.s32 $0xFFFFFEF7, lr;
	s5 =	simm.s32 $0xFFFFFFFF;
	p2 =	slt.u32 s8, $0xFFFFF086  }
0x1c: {  	p1 =	slt.u32 s9, $0xF7A;
	s5 =	simm.s32 @!p2 $0x0  }
0x1d: {  	s5 =	simm.s32 @p1 $0x1;
	p0 =	seq.s32 s7, s2  }
0x1e: {  	s7 =	smul.u32 @!p0 $0xF7A, s2;
	p2 =	seq.s32 @!p0 s5, $0x0  }
0x1f: {  	s9 =	smul.u32 $0xF7A, s1;
	s8 =	simm.s32 @!p0 $0x1BF5;
	p2 =	por !p2, p0  }
0x20: {  	[sflag:s8] =	ssyncset.s32 @!p0 $0xFFFFF086;
	s6 =	sadd.s32 @!p0 s3, s7;
	s7 =	simm.s32 @!p0 $0x108  }
0x21: {  	s3 =	sadd.s32 s3, s9;
	s6 =	sadd.s32 @!p0 $0x88, s6;
	s7 =	simm.s32 @p2 $0x1082  }
0x22: {  	[simem:s7], [sflag:s8] =	dma.local @!p0 [hbm:s6], $0xF7A  }
0x23: {  	s9 =	sor.u32 $0xD0000000, s2;
	s6 =	simm.s32 $0x108;
	_ =	swait.ge @!p0 [sflag:s8], $0x0  }
0x24: {  	s3 =	sadd.s32 $0x88, s3;
	s6 =	simm.s32 @!p1 $0x1082;
	[sflag:s4] =	ssyncset.s32 $0xFFFFF086  }
0x25: {  	[simem:s6], [sflag:s4] =	dma.local [hbm:s3], $0xF7A  }
0x26: {  	[smem:$0x3F9E] =	sst s1;
	(tag) =	ssettag s2;
	_ =	strace s9  }
0x27: {  	s1 =	sld [smem:$0x3FAE]  }
0x28: {  	s2 =	sld [smem:$0x3FAF]  }
0x29: {  	s4 =	sld [smem:$0x3FB1]  }
0x2a: {  	p0 =	seq.s32 s5, $0x0;
	s5 =	sld [smem:$0x3FB2]  }
0x2b: {  	s6 =	sld [smem:$0x3FB3]  }
0x2c: {  	s7 =	sld [smem:$0x3FB4]  }
0x2d: {  	s3 =	simm.s32 $0x108;
	s8 =	sld [smem:$0x3FB5]  }
0x2e: {  	s3 =	simm.s32 @!p0 $0x1082;
	s9 =	sld [smem:$0x3FB6]  }
0x2f: {  	lr =	sadd.s32 s0, s3;
	s0 =	sld [smem:$0x3FAD]  }
0x30: {  	s3 =	sld [smem:$0x3FB0]  }
0x31: {  	[smem:$0x3FB9] =	sst s10  }
0x32: {  	s10 =	sld [smem:$0x3FB7];
	_ =	sdelay $0x3  }
0x33: {  	p0 =	seq.s32 s10, $0x1;
	s10 =	sld [smem:$0x3FB9];
	_ =	sdelay $0x3  }
0x34: {  	[smem:$0x3FB9] =	sst s10  }
0x35: {  	s10 =	sld [smem:$0x3FB8];
	_ =	sdelay $0x3  }
0x36: {  	p1 =	seq.s32 s10, $0x1;
	s10 =	sld [smem:$0x3FB9];
	_ =	sdelay $0x3  }
0x37: {  	[smem:$0x3FB9] =	sst s10  }
0x38: {  	s10 =	sld [smem:$0x3FBA]  }
0x39: {  	_ = 	snop;
	(pc) =	sbr.ind lr, $3  }
0x3a: {  	_ = 	snop  }
0x3b: {  	_ = 	snop  }
0x3c: {  	p2 =	seq.s32 s10, $0x1;
	s10 =	sld [smem:$0x3FB9]  }
0x3d: {  	_ =	shalt  }
0x3e: {  	_ =	shalt  }
0x3f: {  	_ =	shalt  }
0x40: {  	_ =	shalt  }
0x41: {  	_ =	shalt  }
0x42: {  	_ =	shalt  }
0x43: {  	_ =	shalt  }
0x44: {  	_ =	shalt  }
0x45: {  	_ =	shalt  }
0x46: {  	_ =	shalt  }
0x47: {  	_ =	shalt  }
0x48: {  	_ =	shalt  }
0x49: {  	_ =	shalt  }
0x4a: {  	_ =	shalt  }
0x4b: {  	_ =	shalt  }
0x4c: {  	_ =	shalt  }
0x4d: {  	_ =	shalt  }
0x4e: {  	_ =	shalt  }
0x4f: {  	_ =	shalt  }
0x50: {  	_ =	shalt  }
0x51: {  	_ =	shalt  }
0x52: {  	_ =	shalt  }
0x53: {  	_ =	shalt  }
0x54: {  	_ =	shalt  }
0x55: {  	_ =	shalt  }
0x56: {  	_ =	shalt  }
0x57: {  	_ =	shalt  }
0x58: {  	_ =	shalt  }
0x59: {  	_ =	shalt  }
0x5a: {  	_ =	shalt  }
0x5b: {  	_ =	shalt  }
0x5c: {  	_ =	shalt  }
0x5d: {  	_ =	shalt  }
0x5e: {  	_ =	shalt  }
0x5f: {  	_ =	shalt  }
0x60: {  	_ =	shalt  }
0x61: {  	_ =	shalt  }
0x62: {  	_ =	shalt  }
0x63: {  	_ =	shalt  }
0x64: {  	_ =	shalt  }
0x65: {  	_ =	shalt  }
0x66: {  	_ =	shalt  }
0x67: {  	_ =	shalt  }
0x68: {  	_ =	shalt  }
0x69: {  	_ =	shalt  }
0x6a: {  	_ =	shalt  }
0x6b: {  	_ =	shalt  }
0x6c: {  	_ =	shalt  }
0x6d: {  	_ =	shalt  }
0x6e: {  	_ =	shalt  }
0x6f: {  	_ =	shalt  }
0x70: {  	_ =	shalt  }
0x71: {  	_ =	shalt  }
0x72: {  	_ =	shalt  }
0x73: {  	_ =	shalt  }
0x74: {  	_ =	shalt  }
0x75: {  	_ =	shalt  }
0x76: {  	_ =	shalt  }
0x77: {  	_ =	shalt  }
0x78: {  	_ =	shalt  }
0x79: {  	_ =	shalt  }
0x7a: {  	_ =	shalt  }
0x7b: {  	_ =	shalt  }
0x7c: {  	_ =	shalt  }
0x7d: {  	_ =	shalt  }
0x7e: {  	_ =	shalt  }
0x7f: {  	_ =	shalt  }
0x80: {  	_ =	shalt  }
0x81: {  	_ =	shalt  }
0x82: {  	_ =	shalt  }
0x83: {  	_ =	shalt  }
0x84: {  	_ =	shalt  }
0x85: {  	_ =	shalt  }
0x86: {  	_ =	shalt  }
0x87: {  	_ =	shalt  }
.Lfunc_end0:
.L_simem_size_0:
called_computation_lowered:
.L_overlay_start_0:
0x88: {  	s2 =	sld [smem:$0x3FD9]  }
0x89: {  	s3 =	sld [smem:$0x3FFE];
	_ =	sdelay $0x1  }
0x8a: {  	s1 =	srdreg.scid  }
0x8b: {  	s0 =	sand.u32 $0x1, s1  }
0x8c: {  	s16 =	sshll.u32 s0, $0xA;
	s2 =	sadd.s32 s3, s2  }
0x8d: {  	s2 =	sadd.s32 s2, s16  }
0x8e: {  	[smem:$0x3FC5] =	sst s2  }
0x8f: {  	_ = 	snop  }
0x90: {  	(tm) =	ssettm $0x1  }
0x91: {  	s17 =	sld [smem:$0x3FFB];
	_ =	sdelay $0x3  }
0x92: {  	_ =	strace s17  }
0x93: {  	s2 =	sld [smem:$0x3FFC];
	_ =	sdelay $0x3  }
0x94: {  	_ =	strace s2  }
0x95: {  	s2 =	sld [smem:$0x3FFD];
	_ =	sdelay $0x3  }
0x96: {  	_ =	strace s2  }
0x97: {  	_ =	strace $0x8FFFFFFF  }
0x98: {  	s18 =	sld [smem:$0x3FDB];
	_ =	sdelay $0x1  }
0x99: {  	s19 =	simm.s32 $_scs_section_size  }
0x9a: {  	s4 =	simm.s32 $_size__tile_overlayer_lowered;
	s5 =	simm.s32 $_tile_overlayer_lowered  }
0x9b: {  	s22 =	simm.s32 $0x1BFF;
	s21 =	sshll.u32 s5, $0x1;
	s2 =	sadd.s32 s19, s18  }
0x9c: {  	s6 =	simm.s32 $0x0;
	s20 =	sshll.u32 s4, $0x1;
	s4 =	sadd.s32 s21, s2  }
0x9d: {  	[timem:s6], [sflag:s22] =	dma.local [hbm:s4], s20  }
0x9e: {  	_ =	swait.ge [sflag:s22], s20  }
0x9f: {  	s3 =	ssub.s32 $0x0, s20;
	[sflag:s22] =	ssyncset.done $0x0  }
0xa0: {  	[sflag:s22] =	ssyncadd.s32 s3;
	_ =	sdelay $0x1  }
0xa1: {  	s23 =	simm.s32 $0x1B8B  }
0xa2: {  	_ =	swait.ge [sflag:s23], $0x1  }
0xa3: {  	[sflag:s23] =	ssyncset.done $0x0  }
0xa4: {  	s25 =	simm.s32 $0x1B8E;
	s24 =	sld [smem:$0x3FFE];
	[sflag:s23] =	ssyncadd.s32 $0xFFFFFFFF  }
0xa5: {  	s26 =	simm.s32 $execute0_lowered;
	[smem:$0x3FD2] =	sst s25  }
0xa6: {  	s4 =	sshll.u32 s26, $0x1;
	_ =	strace $0x80000046;
	[dreg:$0x1] =	wrdreg $0xFFFFFFFF  }
0xa7: {  	s28 =	simm.s32 $_size_execute0_lowered;
	s2 =	sadd.s32 s2, s4;
	[dreg:$0x0] =	wrdreg $0x0  }
0xa8: {  	s4 =	sshll.u32 s28, $0x1;
	[dreg:$0x2] =	wrdreg s2  }
0xa9: {  	[dreg:$0x3] =	wrdreg s4  }
0xaa: {  	[dreg:$0x4] =	wrdreg $0xC0  }
0xab: {  	_ =	task [dreg:s6], $0x5FFFF  }
0xac: {  	[dreg:$0x1] =	wrdreg $0xFFFFFFFF  }
0xad: {  	[dreg:$0x0] =	wrdreg $0x60  }
0xae: {  	[dreg:$0x2] =	wrdreg s24  }
0xaf: {  	[dreg:$0x3] =	wrdreg $0x9  }
0xb0: {  	_ =	task.clear_ibuf [dreg:s6], $0x4FFFF;
	_ =	strace $0x90000046  }
0xb1: {  	s29 =	simm.s32 $0x9;
	_ =	strace $0x80000048  }
0xb2: {  	_ =	swait.ge [sflag:s29], $0x1  }
0xb3: {  	[sflag:s29] =	ssyncadd.s32 $0xFFFFFFFF  }
0xb4: {  	_ =	strace $0x90000048  }
0xb5: {  	_ =	sfence  }
0xb6: {  	s30 =	sld [smem:$0x0];
	_ =	sdelay $0x2  }
0xb7: {  	s31 =	sshll.u32 s1, $0xD;
	s1 =	sshrl.u32 s1, $0x2  }
0xb8: {  	s3 =	sand.u32 $0x4000, s31;
	s1 =	sadd.s32 s1, s30  }
0xb9: {  	s0 =	sor.u32 s3, s0;
	s1 =	sshll.u32 s1, $0x11  }
0xba: {  	s0 =	sor.u32 s1, s0  }
0xbb: {  	s0 =	sadd.s32 $0x8F2B, s0  }
0xbc: {  	[sflag:s0] =	ssyncadd.remote.s32 $0x1  }
0xbd: {  	_ =	sfence.sel $0xFFFF  }
0xbe: {  	[dreg:$0x0] =	wrdreg $0xFFFFFFFF;
	(pc) =	sbr.abs _section_cstart, $3  }
0xbf: {  	[dreg:$0x1] =	wrdreg $0xFFFFFFFF  }
0xc0: {  	_ =	task.clear_ibuf [dreg:s6], $0x2FFFF;
	_ =	strace $0x9FFFFFFF  }
0xc1: {  	(tm) =	ssettm $0x7FFFFFFF  }
tec
execute0_lowered:
.L_overlay_start_1:
0x0: {  	(tag) =	ssettag $0x1  }
0x1: {  	s4 =	rddreg [dreg:$0x0];
	s3 =	srdreg.scid  }
0x2: {  	s2 =	simm.s32 $0x0;
	s1 =	stileid.u32;
	s7 =	simm.s32 $0x2  }
0x3: {  	s8 =	simm.s32 $0x80;
	s9 =	simm.s32 $0x400;
	s10 =	simm.s32 $0x2400  }
0x4: {  	s11 =	simm.s32 $0x100;
	s12 =	simm.s32 $0x4400;
	s13 =	simm.s32 $0x180  }
0x5: {  	s14 =	simm.s32 $0x6400;
	s15 =	simm.s32 $0x200;
	s16 =	simm.s32 $0x8400  }
0x6: {  	v0 =	vlaneseq.u32;
	s17 =	simm.s32 $0x280;
	s18 =	simm.s32 $0xA400;
	s19 =	simm.s32 $0x300  }
0x7: {  	s20 =	simm.s32 $0xC400;
	s21 =	simm.s32 $0x380;
	s22 =	simm.s32 $0xE400;
	v0 =	vmul.u32 $0x10, v0  }
0x8: {  	s23 =	simm.s32 $0x1;
	s24 =	simm.s32 $0x10800;
	s25 =	simm.s32 $0x10400  }
0x9: {  	s26 =	simm.s32 $0x0;
	s3 =	sand.u32 $0x1, s3;
	[smem:$0x7FF] =	sst s2;
	v1 =	vor.u32 $0x1, v0;
	v2 =	vor.u32 $0x2, v0;
	v3 =	vor.u32 $0x3, v0  }
0xa: {  	s5 =	sshll.u32 s1, $0x8;
	s6 =	sshll.u32 s3, $0x7;
	s30 =	ssub.s32 $0x2, s3;
	v4 =	vor.u32 $0x4, v0;
	v5 =	vor.u32 $0x5, v0;
	v6 =	vor.u32 $0x6, v0  }
0xb: {  	_ =	strace $0x80000047;
	s5 =	sor.u32 s6, s5;
	s31 =	sshrl.u32 s30, $0x1;
	v7 =	vor.u32 $0x7, v0;
	v8 =	vor.u32 $0x8, v0;
	v9 =	vor.u32 $0x9, v0  }
0xc: {  	s3 =	sadd.s32 $0xF42E00, s4;
	v10 =	vor.u32 $0xA, v0;
	v11 =	vor.u32 $0xB, v0;
	v12 =	vor.u32 $0xC, v0;
	s5 =	sadd.s32 s5, s4;
	s6 =	ssub.s32 s30, s31  }
0xd: {  	v13 =	vor.u32 $0xD, v0;
	v14 =	vor.u32 $0xE, v0;
	v15 =	vor.u32 $0xF, v0;
	s4 =	sadd.s32 $0xA00, s5;
	s5 =	sadd.s32 $0x1A00, s5;
	s6 =	smax.u32 s6, $0x1  }
.LBB2_1:
0xe: {  	[tilespmem:s2], [sflag:$0x2] =	stream.linear.gather [hbm4b:s4+s2], $0x400, $0x38;
	[tilespmem:$0x10900] =	vst v63  }
0xf: {  	_ =	swait.ge [sflag:s7], $0x400  }
0x10: {  	[sflag:s7] =	ssyncset.done $0x0  }
0x11: {  	[sflag:s7] =	ssyncadd.s32 $0xFFFFFC00  }
0x12: {  	[tilespmem:s9], [sflag:$0x1] =	stream.indirect.gather [hbm4b:s3+s8], $0x40, s2, s8, $0xb8;
	[tilespmem:$0x10900] =	vst v63  }
0x13: {  	_ = 	snop  }
0x14: {  	[tilespmem:s10], [sflag:$0x1] =	stream.indirect.gather [hbm4b:s3+s8], $0x40, s8, s8, $0xb8;
	[tilespmem:$0x10900] =	vst v63  }
0x15: {  	_ = 	snop  }
0x16: {  	[tilespmem:s12], [sflag:$0x1] =	stream.indirect.gather [hbm4b:s3+s8], $0x40, s11, s8, $0xb8;
	[tilespmem:$0x10900] =	vst v63  }
0x17: {  	_ = 	snop  }
0x18: {  	[tilespmem:s14], [sflag:$0x1] =	stream.indirect.gather [hbm4b:s3+s8], $0x40, s13, s8, $0xb8;
	[tilespmem:$0x10900] =	vst v63  }
0x19: {  	_ = 	snop  }
0x1a: {  	[tilespmem:s16], [sflag:$0x1] =	stream.indirect.gather [hbm4b:s3+s8], $0x40, s15, s8, $0xb8;
	[tilespmem:$0x10900] =	vst v63  }
0x1b: {  	_ = 	snop  }
0x1c: {  	[tilespmem:s18], [sflag:$0x1] =	stream.indirect.gather [hbm4b:s3+s8], $0x40, s17, s8, $0xb8;
	[tilespmem:$0x10900] =	vst v63  }
0x1d: {  	_ = 	snop  }
0x1e: {  	[tilespmem:s20], [sflag:$0x1] =	stream.indirect.gather [hbm4b:s3+s8], $0x40, s19, s8, $0xb8;
	[tilespmem:$0x10900] =	vst v63  }
0x1f: {  	_ = 	snop  }
0x20: {  	[tilespmem:s22], [sflag:$0x1] =	stream.indirect.gather [hbm4b:s3+s8], $0x40, s21, s8, $0xb8;
	[tilespmem:$0x10900] =	vst v63  }
0x21: {  	_ =	swait.ge [sflag:s23], $0x2000  }
0x22: {  	[sflag:s23] =	ssyncset.done $0x0  }
0x23: {  	[sflag:s23] =	ssyncadd.s32 $0xFFFFE000  }
0x24: {  	_ =	swait.ge [sflag:s23], $0x2000  }
0x25: {  	[sflag:s23] =	ssyncset.done $0x0  }
0x26: {  	[sflag:s23] =	ssyncadd.s32 $0xFFFFE000  }
0x27: {  	_ =	swait.ge [sflag:s23], $0x2000  }
0x28: {  	[sflag:s23] =	ssyncset.done $0x0  }
0x29: {  	[sflag:s23] =	ssyncadd.s32 $0xFFFFE000  }
0x2a: {  	_ =	swait.ge [sflag:s23], $0x2000  }
0x2b: {  	[sflag:s23] =	ssyncset.done $0x0  }
0x2c: {  	[sflag:s23] =	ssyncadd.s32 $0xFFFFE000  }
0x2d: {  	_ =	swait.ge [sflag:s23], $0x2000  }
0x2e: {  	[sflag:s23] =	ssyncset.done $0x0  }
0x2f: {  	[sflag:s23] =	ssyncadd.s32 $0xFFFFE000  }
0x30: {  	_ =	swait.ge [sflag:s23], $0x2000  }
0x31: {  	[sflag:s23] =	ssyncset.done $0x0  }
0x32: {  	[sflag:s23] =	ssyncadd.s32 $0xFFFFE000  }
0x33: {  	_ =	swait.ge [sflag:s23], $0x2000  }
0x34: {  	[sflag:s23] =	ssyncset.done $0x0  }
0x35: {  	[sflag:s23] =	ssyncadd.s32 $0xFFFFE000  }
0x36: {  	_ =	swait.ge [sflag:s23], $0x2000  }
0x37: {  	[sflag:s23] =	ssyncset.done $0x0  }
0x38: {  	s28 =	simm.s32 $0x600;
	[sflag:s23] =	ssyncadd.s32 $0xFFFFE000  }
0x39: {  	v16 =	vld [tilespmem:s28+$0xFFFFFE00]  }
0x3a: {  	v17 =	vld [tilespmem:s28+$0xFFFFFE30]  }
0x3b: {  	v18 =	vld [tilespmem:s28+$0xFFFFFE20]  }
0x3c: {  	v19 =	vld [tilespmem:s28+$0xFFFFFE10];
	_ =	sdelay $0x4  }
0x3d: {  	v17 =	vadd.f32 v17, v18;
	v16 =	vadd.f32 v19, v16;
	_ =	sdelay $0x1  }
0x3e: {  	v16 =	vadd.f32 v17, v16;
	_ =	sdelay $0x1  }
0x3f: {  	[tilespmem:$0x10800] =	vst v16  }
0x40: {  	v16 =	vld [tilespmem:s28+$0xFFFFFE70]  }
0x41: {  	v17 =	vld [tilespmem:s28+$0xFFFFFE40]  }
0x42: {  	v18 =	vld [tilespmem:s28+$0xFFFFFE60]  }
0x43: {  	v19 =	vld [tilespmem:s28+$0xFFFFFE50];
	_ =	sdelay $0x4  }
0x44: {  	v16 =	vadd.f32 v16, v18;
	v17 =	vadd.f32 v19, v17;
	_ =	sdelay $0x1  }
0x45: {  	v16 =	vadd.f32 v16, v17;
	_ =	sdelay $0x1  }
0x46: {  	[tilespmem:$0x10810] =	vst v16  }
0x47: {  	v16 =	vld [tilespmem:s28+$0xFFFFFE80]  }
0x48: {  	v17 =	vld [tilespmem:s28+$0xFFFFFE90]  }
0x49: {  	v18 =	vld [tilespmem:s28+$0xFFFFFEA0]  }
0x4a: {  	v19 =	vld [tilespmem:s28+$0xFFFFFEB0];
	_ =	sdelay $0x4  }
0x4b: {  	v16 =	vadd.f32 v17, v16;
	v17 =	vadd.f32 v19, v18;
	_ =	sdelay $0x1  }
0x4c: {  	v16 =	vadd.f32 v17, v16;
	_ =	sdelay $0x1  }
0x4d: {  	[tilespmem:$0x10820] =	vst v16  }
0x4e: {  	v16 =	vld [tilespmem:s28+$0xFFFFFEE0]  }
0x4f: {  	v17 =	vld [tilespmem:s28+$0xFFFFFED0]  }
0x50: {  	v18 =	vld [tilespmem:s28+$0xFFFFFEC0]  }
0x51: {  	v19 =	vld [tilespmem:s28+$0xFFFFFEF0];
	_ =	sdelay $0x4  }
0x52: {  	v17 =	vadd.f32 v17, v18;
	v16 =	vadd.f32 v19, v16;
	_ =	sdelay $0x1  }
0x53: {  	v16 =	vadd.f32 v16, v17;
	_ =	sdelay $0x1  }
0x54: {  	[tilespmem:$0x10830] =	vst v16  }
0x55: {  	v16 =	vld [tilespmem:s28+$0xFFFFFF30]  }
0x56: {  	v17 =	vld [tilespmem:s28+$0xFFFFFF10]  }
0x57: {  	v18 =	vld [tilespmem:s28+$0xFFFFFF00]  }
0x58: {  	v19 =	vld [tilespmem:s28+$0xFFFFFF20];
	_ =	sdelay $0x4  }
0x59: {  	v17 =	vadd.f32 v17, v18;
	v16 =	vadd.f32 v16, v19;
	_ =	sdelay $0x1  }
0x5a: {  	v16 =	vadd.f32 v16, v17;
	_ =	sdelay $0x1  }
0x5b: {  	[tilespmem:$0x10840] =	vst v16  }
0x5c: {  	v16 =	vld [tilespmem:s28+$0xFFFFFF50]  }
0x5d: {  	v17 =	vld [tilespmem:s28+$0xFFFFFF70]  }
0x5e: {  	v18 =	vld [tilespmem:s28+$0xFFFFFF40]  }
0x5f: {  	v19 =	vld [tilespmem:s28+$0xFFFFFF60];
	_ =	sdelay $0x4  }
0x60: {  	v16 =	vadd.f32 v16, v18;
	v17 =	vadd.f32 v17, v19;
	_ =	sdelay $0x1  }
0x61: {  	v16 =	vadd.f32 v17, v16;
	_ =	sdelay $0x1  }
0x62: {  	[tilespmem:$0x10850] =	vst v16  }
0x63: {  	v16 =	vld [tilespmem:s28+$0xFFFFFF90]  }
0x64: {  	v17 =	vld [tilespmem:s28+$0xFFFFFFB0]  }
0x65: {  	v18 =	vld [tilespmem:s28+$0xFFFFFF80]  }
0x66: {  	v19 =	vld [tilespmem:s28+$0xFFFFFFA0];
	_ =	sdelay $0x4  }
0x67: {  	v16 =	vadd.f32 v16, v18;
	v17 =	vadd.f32 v17, v19;
	_ =	sdelay $0x1  }
0x68: {  	v16 =	vadd.f32 v17, v16;
	_ =	sdelay $0x1  }
0x69: {  	[tilespmem:$0x10860] =	vst v16  }
0x6a: {  	v16 =	vld [tilespmem:s28+$0xFFFFFFC0]  }
0x6b: {  	v17 =	vld [tilespmem:s28+$0xFFFFFFF0]  }
0x6c: {  	v18 =	vld [tilespmem:s28+$0xFFFFFFD0]  }
0x6d: {  	v19 =	vld [tilespmem:s28+$0xFFFFFFE0];
	_ =	sdelay $0x4  }
0x6e: {  	v16 =	vadd.f32 v18, v16;
	v17 =	vadd.f32 v17, v19;
	_ =	sdelay $0x1  }
0x6f: {  	v16 =	vadd.f32 v17, v16;
	_ =	sdelay $0x1  }
0x70: {  	[tilespmem:$0x10870] =	vst v16  }
0x71: {  	v16 =	vld [tilespmem:s28+$0x10]  }
0x72: {  	v17 =	vld [tilespmem:s28+$0x30]  }
0x73: {  	v18 =	vld [tilespmem:s28+$0x0]  }
0x74: {  	v19 =	vld [tilespmem:s28+$0x20];
	_ =	sdelay $0x4  }
0x75: {  	v16 =	vadd.f32 v16, v18;
	v17 =	vadd.f32 v17, v19;
	_ =	sdelay $0x1  }
0x76: {  	v16 =	vadd.f32 v17, v16;
	_ =	sdelay $0x1  }
0x77: {  	[tilespmem:$0x10880] =	vst v16  }
0x78: {  	v16 =	vld [tilespmem:s28+$0x50]  }
0x79: {  	v17 =	vld [tilespmem:s28+$0x70]  }
0x7a: {  	v18 =	vld [tilespmem:s28+$0x40]  }
0x7b: {  	v19 =	vld [tilespmem:s28+$0x60];
	_ =	sdelay $0x4  }
0x7c: {  	v16 =	vadd.f32 v16, v18;
	v17 =	vadd.f32 v17, v19;
	_ =	sdelay $0x1  }
0x7d: {  	v16 =	vadd.f32 v17, v16;
	_ =	sdelay $0x1  }
0x7e: {  	[tilespmem:$0x10890] =	vst v16  }
0x7f: {  	v16 =	vld [tilespmem:s28+$0x90]  }
0x80: {  	v17 =	vld [tilespmem:s28+$0x80]  }
0x81: {  	v18 =	vld [tilespmem:s28+$0xB0]  }
0x82: {  	v19 =	vld [tilespmem:s28+$0xA0];
	_ =	sdelay $0x4  }
0x83: {  	v16 =	vadd.f32 v16, v17;
	v17 =	vadd.f32 v18, v19;
	_ =	sdelay $0x1  }
0x84: {  	v16 =	vadd.f32 v17, v16;
	_ =	sdelay $0x1  }
0x85: {  	[tilespmem:$0x108A0] =	vst v16  }
0x86: {  	v16 =	vld [tilespmem:s28+$0xD0]  }
0x87: {  	v17 =	vld [tilespmem:s28+$0xF0]  }
0x88: {  	v18 =	vld [tilespmem:s28+$0xE0]  }
0x89: {  	v19 =	vld [tilespmem:s28+$0xC0];
	_ =	sdelay $0x4  }
0x8a: {  	v17 =	vadd.f32 v17, v18;
	v16 =	vadd.f32 v16, v19;
	_ =	sdelay $0x1  }
0x8b: {  	v16 =	vadd.f32 v17, v16;
	_ =	sdelay $0x1  }
0x8c: {  	[tilespmem:$0x108B0] =	vst v16  }
0x8d: {  	v16 =	vld [tilespmem:s28+$0x100]  }
0x8e: {  	v17 =	vld [tilespmem:s28+$0x110]  }
0x8f: {  	v18 =	vld [tilespmem:s28+$0x120]  }
0x90: {  	v19 =	vld [tilespmem:s28+$0x130];
	_ =	sdelay $0x4  }
0x91: {  	v16 =	vadd.f32 v17, v16;
	v17 =	vadd.f32 v19, v18;
	_ =	sdelay $0x1  }
0x92: {  	v16 =	vadd.f32 v17, v16;
	_ =	sdelay $0x1  }
0x93: {  	[tilespmem:$0x108C0] =	vst v16  }
0x94: {  	v16 =	vld [tilespmem:s28+$0x150]  }
0x95: {  	v17 =	vld [tilespmem:s28+$0x160]  }
0x96: {  	v18 =	vld [tilespmem:s28+$0x140]  }
0x97: {  	v19 =	vld [tilespmem:s28+$0x170];
	_ =	sdelay $0x4  }
0x98: {  	v16 =	vadd.f32 v16, v18;
	v17 =	vadd.f32 v19, v17;
	_ =	sdelay $0x1  }
0x99: {  	v16 =	vadd.f32 v17, v16;
	_ =	sdelay $0x1  }
0x9a: {  	[tilespmem:$0x108D0] =	vst v16  }
0x9b: {  	v16 =	vld [tilespmem:s28+$0x1B0]  }
0x9c: {  	v17 =	vld [tilespmem:s28+$0x190]  }
0x9d: {  	v18 =	vld [tilespmem:s28+$0x180]  }
0x9e: {  	v19 =	vld [tilespmem:s28+$0x1A0];
	_ =	sdelay $0x4  }
0x9f: {  	v17 =	vadd.f32 v17, v18;
	v16 =	vadd.f32 v16, v19;
	_ =	sdelay $0x1  }
0xa0: {  	v16 =	vadd.f32 v16, v17;
	_ =	sdelay $0x1  }
0xa1: {  	[tilespmem:$0x108E0] =	vst v16  }
0xa2: {  	v16 =	vld [tilespmem:s28+$0x1C0]  }
0xa3: {  	v17 =	vld [tilespmem:s28+$0x1F0]  }
0xa4: {  	v18 =	vld [tilespmem:s28+$0x1D0]  }
0xa5: {  	s30 =	simm.s32 $0x40;
	s29 =	simm.s32 $0x0;
	v19 =	vld [tilespmem:s28+$0x1E0]  }
.LBB2_2:
0xa6: {  	_ = 	snop  }
0xa7: {  	p0 =	sne.s32 s30, $0xFC0  }
0xa8: {  	s28 =	sadd.s32 $0x400, s28;
	s31 =	smov.u32 s30;
	s30 =	sadd.s32 $0x40, s30  }
0xa9: {  	v16 =	vadd.f32 v18, v16  }
0xaa: {  	v17 =	vadd.f32 v17, v19;
	_ =	sdelay $0x1  }
0xab: {  	v16 =	vadd.f32 v17, v16;
	_ =	sdelay $0x1  }
0xac: {  	[tilespmem:$0x108F0] =	vst v16  }
0xad: {  	v16 =	vld.idx.msk [tilespmem:v0+s24+$0x0], $0xffff  }
0xae: {  	v17 =	vld.idx.msk [tilespmem:v1+s24+$0x0], $0xffff  }
0xaf: {  	v18 =	vld.idx.msk [tilespmem:v2+s24+$0x0], $0xffff  }
0xb0: {  	v19 =	vld.idx.msk [tilespmem:v3+s24+$0x0], $0xffff  }
0xb1: {  	v20 =	vld.idx.msk [tilespmem:v4+s24+$0x0], $0xffff  }
0xb2: {  	v21 =	vld.idx.msk [tilespmem:v5+s24+$0x0], $0xffff  }
0xb3: {  	v16 =	vadd.f32 $0.0e+00, v16;
	v22 =	vld.idx.msk [tilespmem:v6+s24+$0x0], $0xffff  }
0xb4: {  	v23 =	vld.idx.msk [tilespmem:v7+s24+$0x0], $0xffff  }
0xb5: {  	v16 =	vadd.f32 v17, v16;
	v17 =	vld.idx.msk [tilespmem:v8+s24+$0x0], $0xffff  }
0xb6: {  	v24 =	vld.idx.msk [tilespmem:v9+s24+$0x0], $0xffff  }
0xb7: {  	v16 =	vadd.f32 v18, v16;
	v18 =	vld.idx.msk [tilespmem:v10+s24+$0x0], $0xffff  }
0xb8: {  	v25 =	vld.idx.msk [tilespmem:v11+s24+$0x0], $0xffff  }
0xb9: {  	v16 =	vadd.f32 v19, v16;
	v19 =	vld.idx.msk [tilespmem:v12+s24+$0x0], $0xffff  }
0xba: {  	v26 =	vld.idx.msk [tilespmem:v13+s24+$0x0], $0xffff  }
0xbb: {  	v16 =	vadd.f32 v20, v16;
	v20 =	vld.idx.msk [tilespmem:v14+s24+$0x0], $0xffff  }
0xbc: {  	v27 =	vld.idx.msk [tilespmem:v15+s24+$0x0], $0xffff  }
0xbd: {  	v16 =	vadd.f32 v21, v16;
	_ =	sdelay $0x1  }
0xbe: {  	v16 =	vadd.f32 v22, v16;
	_ =	sdelay $0x1  }
0xbf: {  	v16 =	vadd.f32 v23, v16;
	_ =	sdelay $0x1  }
0xc0: {  	v16 =	vadd.f32 v17, v16;
	_ =	sdelay $0x1  }
0xc1: {  	v16 =	vadd.f32 v24, v16;
	_ =	sdelay $0x1  }
0xc2: {  	v16 =	vadd.f32 v18, v16;
	_ =	sdelay $0x1  }
0xc3: {  	v16 =	vadd.f32 v25, v16;
	_ =	sdelay $0x1  }
0xc4: {  	v16 =	vadd.f32 v19, v16;
	_ =	sdelay $0x1  }
0xc5: {  	v16 =	vadd.f32 v26, v16;
	_ =	sdelay $0x1  }
0xc6: {  	v16 =	vadd.f32 v20, v16;
	_ =	sdelay $0x1  }
0xc7: {  	s0 =	sshra.s32 s29, $0x2;
	s29 =	smov.u32 s31;
	v16 =	vadd.f32 v27, v16;
	_ =	sdelay $0x1  }
0xc8: {  	[tilespmem:s0+$0x10400] =	vst v16  }
0xc9: {  	v16 =	vld [tilespmem:s28+$0xFFFFFE00]  }
0xca: {  	v17 =	vld [tilespmem:s28+$0xFFFFFE30]  }
0xcb: {  	v18 =	vld [tilespmem:s28+$0xFFFFFE20]  }
0xcc: {  	v19 =	vld [tilespmem:s28+$0xFFFFFE10];
	_ =	sdelay $0x3  }
0xcd: {  	v17 =	vadd.f32 v17, v18  }
0xce: {  	v16 =	vadd.f32 v19, v16;
	_ =	sdelay $0x1  }
0xcf: {  	v16 =	vadd.f32 v17, v16;
	_ =	sdelay $0x1  }
0xd0: {  	[tilespmem:$0x10800] =	vst v16  }
0xd1: {  	v16 =	vld [tilespmem:s28+$0xFFFFFE70]  }
0xd2: {  	v17 =	vld [tilespmem:s28+$0xFFFFFE40]  }
0xd3: {  	v18 =	vld [tilespmem:s28+$0xFFFFFE60]  }
0xd4: {  	v19 =	vld [tilespmem:s28+$0xFFFFFE50];
	_ =	sdelay $0x3  }
0xd5: {  	v16 =	vadd.f32 v16, v18  }
0xd6: {  	v17 =	vadd.f32 v19, v17;
	_ =	sdelay $0x1  }
0xd7: {  	v16 =	vadd.f32 v16, v17;
	_ =	sdelay $0x1  }
0xd8: {  	[tilespmem:$0x10810] =	vst v16  }
0xd9: {  	v16 =	vld [tilespmem:s28+$0xFFFFFE80]  }
0xda: {  	v17 =	vld [tilespmem:s28+$0xFFFFFE90]  }
0xdb: {  	v18 =	vld [tilespmem:s28+$0xFFFFFEA0]  }
0xdc: {  	v19 =	vld [tilespmem:s28+$0xFFFFFEB0];
	_ =	sdelay $0x2  }
0xdd: {  	v16 =	vadd.f32 v17, v16;
	_ =	sdelay $0x1  }
0xde: {  	v17 =	vadd.f32 v19, v18;
	_ =	sdelay $0x1  }
0xdf: {  	v16 =	vadd.f32 v17, v16;
	_ =	sdelay $0x1  }
0xe0: {  	[tilespmem:$0x10820] =	vst v16  }
0xe1: {  	v16 =	vld [tilespmem:s28+$0xFFFFFEE0]  }
0xe2: {  	v17 =	vld [tilespmem:s28+$0xFFFFFED0]  }
0xe3: {  	v18 =	vld [tilespmem:s28+$0xFFFFFEC0]  }
0xe4: {  	v19 =	vld [tilespmem:s28+$0xFFFFFEF0];
	_ =	sdelay $0x3  }
0xe5: {  	v17 =	vadd.f32 v17, v18  }
0xe6: {  	v16 =	vadd.f32 v19, v16;
	_ =	sdelay $0x1  }
0xe7: {  	v16 =	vadd.f32 v16, v17;
	_ =	sdelay $0x1  }
0xe8: {  	[tilespmem:$0x10830] =	vst v16  }
0xe9: {  	v16 =	vld [tilespmem:s28+$0xFFFFFF30]  }
0xea: {  	v17 =	vld [tilespmem:s28+$0xFFFFFF10]  }
0xeb: {  	v18 =	vld [tilespmem:s28+$0xFFFFFF00]  }
0xec: {  	v19 =	vld [tilespmem:s28+$0xFFFFFF20];
	_ =	sdelay $0x3  }
0xed: {  	v17 =	vadd.f32 v17, v18  }
0xee: {  	v16 =	vadd.f32 v16, v19;
	_ =	sdelay $0x1  }
0xef: {  	v16 =	vadd.f32 v16, v17;
	_ =	sdelay $0x1  }
0xf0: {  	[tilespmem:$0x10840] =	vst v16  }
0xf1: {  	v16 =	vld [tilespmem:s28+$0xFFFFFF50]  }
0xf2: {  	v17 =	vld [tilespmem:s28+$0xFFFFFF70]  }
0xf3: {  	v18 =	vld [tilespmem:s28+$0xFFFFFF40]  }
0xf4: {  	v19 =	vld [tilespmem:s28+$0xFFFFFF60];
	_ =	sdelay $0x3  }
0xf5: {  	v16 =	vadd.f32 v16, v18  }
0xf6: {  	v17 =	vadd.f32 v17, v19;
	_ =	sdelay $0x1  }
0xf7: {  	v16 =	vadd.f32 v17, v16;
	_ =	sdelay $0x1  }
0xf8: {  	[tilespmem:$0x10850] =	vst v16  }
0xf9: {  	v16 =	vld [tilespmem:s28+$0xFFFFFF90]  }
0xfa: {  	v17 =	vld [tilespmem:s28+$0xFFFFFFB0]  }
0xfb: {  	v18 =	vld [tilespmem:s28+$0xFFFFFF80]  }
0xfc: {  	v19 =	vld [tilespmem:s28+$0xFFFFFFA0];
	_ =	sdelay $0x3  }
0xfd: {  	v16 =	vadd.f32 v16, v18  }
0xfe: {  	v17 =	vadd.f32 v17, v19;
	_ =	sdelay $0x1  }
0xff: {  	v16 =	vadd.f32 v17, v16;
	_ =	sdelay $0x1  }
0x100: {  	[tilespmem:$0x10860] =	vst v16  }
0x101: {  	v16 =	vld [tilespmem:s28+$0xFFFFFFC0]  }
0x102: {  	v17 =	vld [tilespmem:s28+$0xFFFFFFF0]  }
0x103: {  	v18 =	vld [tilespmem:s28+$0xFFFFFFD0]  }
0x104: {  	v19 =	vld [tilespmem:s28+$0xFFFFFFE0];
	_ =	sdelay $0x3  }
0x105: {  	v16 =	vadd.f32 v18, v16  }
0x106: {  	v17 =	vadd.f32 v17, v19;
	_ =	sdelay $0x1  }
0x107: {  	v16 =	vadd.f32 v17, v16;
	_ =	sdelay $0x1  }
0x108: {  	[tilespmem:$0x10870] =	vst v16  }
0x109: {  	v16 =	vld [tilespmem:s28+$0x10]  }
0x10a: {  	v17 =	vld [tilespmem:s28+$0x30]  }
0x10b: {  	v18 =	vld [tilespmem:s28+$0x0]  }
0x10c: {  	v19 =	vld [tilespmem:s28+$0x20];
	_ =	sdelay $0x3  }
0x10d: {  	v16 =	vadd.f32 v16, v18  }
0x10e: {  	v17 =	vadd.f32 v17, v19;
	_ =	sdelay $0x1  }
0x10f: {  	v16 =	vadd.f32 v17, v16;
	_ =	sdelay $0x1  }
0x110: {  	[tilespmem:$0x10880] =	vst v16  }
0x111: {  	v16 =	vld [tilespmem:s28+$0x50]  }
0x112: {  	v17 =	vld [tilespmem:s28+$0x70]  }
0x113: {  	v18 =	vld [tilespmem:s28+$0x40]  }
0x114: {  	v19 =	vld [tilespmem:s28+$0x60];
	_ =	sdelay $0x3  }
0x115: {  	v16 =	vadd.f32 v16, v18  }
0x116: {  	v17 =	vadd.f32 v17, v19;
	_ =	sdelay $0x1  }
0x117: {  	v16 =	vadd.f32 v17, v16;
	_ =	sdelay $0x1  }
0x118: {  	[tilespmem:$0x10890] =	vst v16  }
0x119: {  	v16 =	vld [tilespmem:s28+$0x90]  }
0x11a: {  	v17 =	vld [tilespmem:s28+$0x80]  }
0x11b: {  	v18 =	vld [tilespmem:s28+$0xB0]  }
0x11c: {  	v19 =	vld [tilespmem:s28+$0xA0];
	_ =	sdelay $0x2  }
0x11d: {  	v16 =	vadd.f32 v16, v17;
	_ =	sdelay $0x1  }
0x11e: {  	v17 =	vadd.f32 v18, v19;
	_ =	sdelay $0x1  }
0x11f: {  	v16 =	vadd.f32 v17, v16;
	_ =	sdelay $0x1  }
0x120: {  	[tilespmem:$0x108A0] =	vst v16  }
0x121: {  	v16 =	vld [tilespmem:s28+$0xD0]  }
0x122: {  	v17 =	vld [tilespmem:s28+$0xF0]  }
0x123: {  	v18 =	vld [tilespmem:s28+$0xE0]  }
0x124: {  	v19 =	vld [tilespmem:s28+$0xC0];
	_ =	sdelay $0x3  }
0x125: {  	v17 =	vadd.f32 v17, v18  }
0x126: {  	v16 =	vadd.f32 v16, v19;
	_ =	sdelay $0x1  }
0x127: {  	v16 =	vadd.f32 v17, v16;
	_ =	sdelay $0x1  }
0x128: {  	[tilespmem:$0x108B0] =	vst v16  }
0x129: {  	v16 =	vld [tilespmem:s28+$0x100]  }
0x12a: {  	v17 =	vld [tilespmem:s28+$0x110]  }
0x12b: {  	v18 =	vld [tilespmem:s28+$0x120]  }
0x12c: {  	v19 =	vld [tilespmem:s28+$0x130];
	_ =	sdelay $0x2  }
0x12d: {  	v16 =	vadd.f32 v17, v16;
	_ =	sdelay $0x1  }
0x12e: {  	v17 =	vadd.f32 v19, v18;
	_ =	sdelay $0x1  }
0x12f: {  	v16 =	vadd.f32 v17, v16;
	_ =	sdelay $0x1  }
0x130: {  	[tilespmem:$0x108C0] =	vst v16  }
0x131: {  	v16 =	vld [tilespmem:s28+$0x150]  }
0x132: {  	v17 =	vld [tilespmem:s28+$0x160]  }
0x133: {  	v18 =	vld [tilespmem:s28+$0x140]  }
0x134: {  	v19 =	vld [tilespmem:s28+$0x170];
	_ =	sdelay $0x3  }
0x135: {  	v16 =	vadd.f32 v16, v18  }
0x136: {  	v17 =	vadd.f32 v19, v17;
	_ =	sdelay $0x1  }
0x137: {  	v16 =	vadd.f32 v17, v16;
	_ =	sdelay $0x1  }
0x138: {  	[tilespmem:$0x108D0] =	vst v16  }
0x139: {  	v16 =	vld [tilespmem:s28+$0x1B0]  }
0x13a: {  	v17 =	vld [tilespmem:s28+$0x190]  }
0x13b: {  	v18 =	vld [tilespmem:s28+$0x180]  }
0x13c: {  	v19 =	vld [tilespmem:s28+$0x1A0];
	_ =	sdelay $0x3  }
0x13d: {  	v17 =	vadd.f32 v17, v18  }
0x13e: {  	v16 =	vadd.f32 v16, v19;
	_ =	sdelay $0x1  }
0x13f: {  	v16 =	vadd.f32 v16, v17;
	_ =	sdelay $0x1  }
.Ltmp0:
0x140: {  	[tilespmem:$0x108E0] =	vst v16;
	(pc) =	sbr.rel @p0 .LBB2_2-.Ltmp0, $4  }
0x141: {  	v16 =	vld [tilespmem:s28+$0x1C0]  }
0x142: {  	v17 =	vld [tilespmem:s28+$0x1F0]  }
0x143: {  	v18 =	vld [tilespmem:s28+$0x1D0]  }
0x144: {  	v19 =	vld [tilespmem:s28+$0x1E0]  }
0x145: {  	_ =	sdelay $0x3  }
0x146: {  	v16 =	vadd.f32 v18, v16;
	v17 =	vadd.f32 v17, v19;
	_ =	sdelay $0x1  }
0x147: {  	v16 =	vadd.f32 v17, v16;
	_ =	sdelay $0x1  }
0x148: {  	[tilespmem:$0x108F0] =	vst v16  }
0x149: {  	v16 =	vld.idx.msk [tilespmem:v0+s24+$0x0], $0xffff;
	_ =	sdelay $0x1  }
0x14a: {  	v17 =	vld.idx.msk [tilespmem:v1+s24+$0x0], $0xffff;
	_ =	sdelay $0x1  }
0x14b: {  	v54 =	vld.idx.msk [tilespmem:v2+s24+$0x0], $0xffff  }
0x14c: {  	v16 =	vadd.f32 $0.0e+00, v16  }
0x14d: {  	v55 =	vld.idx.msk [tilespmem:v3+s24+$0x0], $0xffff  }
0x14e: {  	v16 =	vadd.f32 v17, v16  }
0x14f: {  	v17 =	vld.idx.msk [tilespmem:v4+s24+$0x0], $0xffff  }
0x150: {  	v16 =	vadd.f32 v54, v16  }
0x151: {  	v56 =	vld.idx.msk [tilespmem:v5+s24+$0x0], $0xffff  }
0x152: {  	v16 =	vadd.f32 v55, v16  }
0x153: {  	v57 =	vld.idx.msk [tilespmem:v6+s24+$0x0], $0xffff  }
0x154: {  	v16 =	vadd.f32 v17, v16  }
0x155: {  	v17 =	vld.idx.msk [tilespmem:v7+s24+$0x0], $0xffff  }
0x156: {  	v16 =	vadd.f32 v56, v16  }
0x157: {  	v58 =	vld.idx.msk [tilespmem:v8+s24+$0x0], $0xffff  }
0x158: {  	v16 =	vadd.f32 v57, v16  }
0x159: {  	v59 =	vld.idx.msk [tilespmem:v9+s24+$0x0], $0xffff  }
0x15a: {  	v16 =	vadd.f32 v17, v16  }
0x15b: {  	v17 =	vld.idx.msk [tilespmem:v10+s24+$0x0], $0xffff  }
0x15c: {  	v16 =	vadd.f32 v58, v16  }
0x15d: {  	v60 =	vld.idx.msk [tilespmem:v11+s24+$0x0], $0xffff  }
0x15e: {  	v16 =	vadd.f32 v59, v16  }
0x15f: {  	v61 =	vld.idx.msk [tilespmem:v12+s24+$0x0], $0xffff  }
0x160: {  	v16 =	vadd.f32 v17, v16  }
0x161: {  	v17 =	vld.idx.msk [tilespmem:v13+s24+$0x0], $0xffff  }
0x162: {  	v16 =	vadd.f32 v60, v16  }
0x163: {  	v62 =	vld.idx.msk [tilespmem:v14+s24+$0x0], $0xffff  }
0x164: {  	v16 =	vadd.f32 v61, v16  }
0x165: {  	v63 =	vld.idx.msk [tilespmem:v15+s24+$0x0], $0xffff  }
0x166: {  	v16 =	vadd.f32 v17, v16;
	_ =	sdelay $0x1  }
0x167: {  	v16 =	vadd.f32 v62, v16;
	_ =	sdelay $0x1  }
0x168: {  	s26 =	sadd.s32 $0x1, s26;
	v16 =	vadd.f32 v63, v16  }
0x169: {  	s0 =	sshra.s32 s29, $0x2;
	p0 =	sne.s32 s26, s6  }
.Ltmp1:
0x16a: {  	[tilespmem:s0+$0x10400] =	vst v16;
	(pc) =	sbr.rel @p0 .LBB2_1-.Ltmp1, $4  }
0x16b: {  	[hbm4b:s5+s2] =	stream.linear.scatter [tilespmem:s25], [sflag:$0x2], $0x400, $0x38;
	[tilespmem:$0x10900] =	vst v63  }
0x16c: {  	_ =	swait.ge [sflag:s7], $0x400  }
0x16d: {  	[sflag:s7] =	ssyncset.done $0x0  }
0x16e: {  	[sflag:s7] =	ssyncadd.s32 $0xFFFFFC00  }
0x16f: {  	_ =	sfence.sel $0x180000  }
0x170: {  	[bflag:$0x0] =	sbarrier.arrive $0xFFFF  }
0x171: {  	_ =	strace $0x90000047  }
0x172: {  	[bflag:$0x2] =	sbarrier.arrive $0xFFFF  }
0x173: {  	p0 =	sne.s32 s1, $0x0;
	s0 =	rddreg [dreg:$0x1]  }
0x174: {  	s0 =	sadd.s32 @!p0 $0x100000, s0  }
0x175: {  	[sflag:s0] =	ssyncadd.tile.s32 @!p0 $0x1;
	_ =	shalt  }
.Lfunc_end2:
_tile_overlayer_lowered:
.L_overlay_start_2:
0x176: {  	(tag) =	ssettag $0x2  }
0x177: {  	s0 =	rddreg [dreg:$0x0];
	s2 =	stileid.u32  }
0x178: {  	s1 =	rddreg [dreg:$0x1];
	p0 =	sne.s32 s2, $0x0  }
0x179: {  	s3 =	rddreg [dreg:$0x2];
	[bflag:$0x3] =	sbarrier.arrive $0xFFFF;
	s2 =	simm.s32 @!p0 $0x1C02  }
0x17a: {  	[timem:s3], [sflag:s2] =	dma.local @!p0 [hbm:s0], s1  }
0x17b: {  	s0 =	simm.s32 @!p0 $0x2  }
0x17c: {  	_ =	swait.ge @!p0 [sflag:s0], s1  }
0x17d: {  	s1 =	ssub.s32 @!p0 $0x0, s1;
	[sflag:s0] =	ssyncset.done @!p0 $0x0  }
0x17e: {  	[sflag:s0] =	ssyncadd.s32 @!p0 s1  }
0x17f: {  	[bflag:$0x3] =	sbarrier.arrive $0xFFFF  }
0x180: {  	_ =	shalt  }

</sc_bundles>
